<compile_context>
chip_gen: v7x
topology: tpu7x:2x2x1
jax: 0.10.2.dev20260603
libtpu: 0.0.44.dev20260713+nightly
codegen_flags: <defaults>
</compile_context>

<pallas_src>
import functools

import jax
import jax.numpy as jnp
from jax import lax
from jax.experimental import pallas as pl
from jax.experimental.pallas import tpu as pltpu
from jax.experimental.pallas import tpu_sc as plsc

NC = 2
NS = 16
NW = NC * NS
CH = 128
DEG_W = 16


def _make_edge_agg(n_pad, d, k0, k1, tc_tiling=False, z_rows=0):
    k = k0
    rpt = n_pad // NS
    zpt = z_rows // NS if z_rows else 0

    mesh = plsc.VectorSubcoreMesh(core_axis_name="c", subcore_axis_name="s")

    @functools.partial(
        pl.kernel,
        out_type=jax.ShapeDtypeStruct((NC, n_pad, d), jnp.float32),
        mesh=mesh,
        compiler_params=pltpu.CompilerParams(use_tc_tiling_on_sc=tc_tiling),
        scratch_types=[
            pltpu.VMEM((k, CH), jnp.int32),
            pltpu.VMEM((k, CH), jnp.int32),
            pltpu.VMEM((CH, d), jnp.float32),
            pltpu.VMEM_SHARED((n_pad, d), jnp.float32),
        ] + ([pltpu.VMEM_SHARED((z_rows, d), jnp.float32)] if z_rows else []) + [
            pltpu.SemaphoreType.DMA,
        ],
    )
    def body(z_hbm, src_hbm, dst_hbm, zrows_hbm, out_hbm, src_v, dst_v,
             buf, acc, *rest):
        if z_rows:
            zsp, sem = rest
        else:
            (sem,) = rest
        c = lax.axis_index("c")
        s = lax.axis_index("s")
        wid = s * NC + c

        pltpu.sync_copy(zrows_hbm, buf)

        def zcp(i, carry):
            pltpu.sync_copy(buf, acc.at[pl.ds(s * rpt + i * CH, CH)])
            return carry

        lax.fori_loop(0, rpt // CH, zcp, 0)

        pltpu.sync_copy(src_hbm.at[wid], src_v)
        pltpu.sync_copy(dst_hbm.at[wid], dst_v)

        if z_rows:
            pltpu.sync_copy(z_hbm.at[pl.ds(s * zpt, zpt)],
                            zsp.at[pl.ds(s * zpt, zpt)])

        plsc.subcore_barrier()

        ztab = zsp if z_rows else z_hbm

        def step(j, carry):
            pltpu.async_copy(ztab.at[src_v.at[j]], buf, sem).wait()
            pltpu.sync_copy(buf, acc.at[dst_v.at[j]], add=True)
            return carry

        kc = jnp.where(c == 0, k0, k1)
        lax.fori_loop(0, kc, step, 0)

        plsc.subcore_barrier()

        def ocp(i, carry):
            pltpu.sync_copy(acc.at[pl.ds(s * rpt + i * CH, CH)], buf)
            pltpu.sync_copy(buf, out_hbm.at[c, pl.ds(s * rpt + i * CH, CH)])
            return carry

        lax.fori_loop(0, rpt // CH, ocp, 0)

    return body


def _make_deg(n_pad, k0, k1):
    k = k0
    rpt = n_pad // NS
    mesh = plsc.VectorSubcoreMesh(core_axis_name="c", subcore_axis_name="s")

    @functools.partial(
        pl.kernel,
        out_type=jax.ShapeDtypeStruct((NC, n_pad, DEG_W), jnp.float32),
        mesh=mesh,
        compiler_params=pltpu.CompilerParams(use_tc_tiling_on_sc=False),
        scratch_types=[
            pltpu.VMEM((k, CH), jnp.int32),
            pltpu.VMEM((CH, DEG_W), jnp.float32),
            pltpu.VMEM((CH, DEG_W), jnp.float32),
            pltpu.VMEM_SHARED((n_pad, DEG_W), jnp.float32),
        ],
    )
    def body(dst_hbm, zrows_hbm, onerows_hbm, out_hbm, dst_v, zbuf, onebuf, acc):
        c = lax.axis_index("c")
        s = lax.axis_index("s")
        wid = s * NC + c

        pltpu.sync_copy(zrows_hbm, zbuf)
        pltpu.sync_copy(onerows_hbm, onebuf)

        def zcp(i, carry):
            pltpu.sync_copy(zbuf, acc.at[pl.ds(s * rpt + i * CH, CH)])
            return carry

        lax.fori_loop(0, rpt // CH, zcp, 0)

        pltpu.sync_copy(dst_hbm.at[wid], dst_v)

        plsc.subcore_barrier()

        def step(j, carry):
            pltpu.sync_copy(onebuf, acc.at[dst_v.at[j]], add=True)
            return carry

        kc = jnp.where(c == 0, k0, k1)
        lax.fori_loop(0, kc, step, 0)

        plsc.subcore_barrier()

        def ocp(i, carry):
            pltpu.sync_copy(acc.at[pl.ds(s * rpt + i * CH, CH)], zbuf)
            pltpu.sync_copy(zbuf, out_hbm.at[c, pl.ds(s * rpt + i * CH, CH)])
            return carry

        lax.fori_loop(0, rpt // CH, ocp, 0)

    return body


BLK = 1000


def _tc_matmul(xp, w):
    n, din = xp.shape
    dout = w.shape[1]

    def body(xr, wr, outr):
        outr[...] = jnp.dot(xr[...], wr[...], preferred_element_type=jnp.float32)

    return pl.pallas_call(
        body,
        grid=(n // BLK,),
        in_specs=[
            pl.BlockSpec((BLK, din), lambda i: (i, 0)),
            pl.BlockSpec((din, dout), lambda i: (0, 0)),
        ],
        out_specs=pl.BlockSpec((BLK, dout), lambda i: (i, 0)),
        out_shape=jax.ShapeDtypeStruct((n, dout), jnp.float32),
    )(xp, w)


def _dis_block(gr):
    deg = gr[0, :, 0:1] + gr[1, :, 0:1] + 1.0
    return lax.rsqrt(deg)


def _tc_mm_scale(xp, w, degacc):
    n, din = xp.shape
    dout = w.shape[1]

    def body(xr, wr, gr, outr):
        outr[...] = (
            jnp.dot(xr[...], wr[...], preferred_element_type=jnp.float32)
            * _dis_block(gr))

    return pl.pallas_call(
        body,
        grid=(n // BLK,),
        in_specs=[
            pl.BlockSpec((BLK, din), lambda i: (i, 0)),
            pl.BlockSpec((din, dout), lambda i: (0, 0)),
            pl.BlockSpec((NC, BLK, DEG_W), lambda i: (0, i, 0)),
        ],
        out_specs=pl.BlockSpec((BLK, dout), lambda i: (i, 0)),
        out_shape=jax.ShapeDtypeStruct((n, dout), jnp.float32),
    )(xp, w, degacc)


def _tc_layer(z, agg, degacc, b, w, final_bias=None):
    n, d = z.shape
    dout = w.shape[1]
    is_final = final_bias is not None

    def body(zr, ar, gr, br, wr, *rest):
        dis = _dis_block(gr)
        h = jnp.tanh((zr[...] + ar[0] + ar[1]) * dis + br[...])
        if is_final:
            b3r, outr = rest
            outr[...] = jnp.dot(h, wr[...], preferred_element_type=jnp.float32) + b3r[...]
        else:
            (outr,) = rest
            outr[...] = jnp.dot(h, wr[...], preferred_element_type=jnp.float32) * dis

    in_specs = [
        pl.BlockSpec((BLK, d), lambda i: (i, 0)),
        pl.BlockSpec((NC, BLK, d), lambda i: (0, i, 0)),
        pl.BlockSpec((NC, BLK, DEG_W), lambda i: (0, i, 0)),
        pl.BlockSpec((1, d), lambda i: (0, 0)),
        pl.BlockSpec((d, dout), lambda i: (0, 0)),
    ]
    args = [z, agg, degacc, b.reshape(1, d), w]
    if is_final:
        in_specs.append(pl.BlockSpec((1, dout), lambda i: (0, 0)))
        args.append(final_bias.reshape(1, dout))

    return pl.pallas_call(
        body,
        grid=(n // BLK,),
        in_specs=in_specs,
        out_specs=pl.BlockSpec((BLK, dout), lambda i: (i, 0)),
        out_shape=jax.ShapeDtypeStruct((n, dout), jnp.float32),
    )(*args)


def kernel(x, edge_index, W1, b1, W2, b2, W3, b3):
    n, d_in = x.shape
    e = edge_index.shape[1]

    n_pad = ((n + NS * CH - 1) // (NS * CH)) * (NS * CH)

    src = edge_index[0].astype(jnp.int32)
    dst = edge_index[1].astype(jnp.int32)
    safe_src = 0
    safe_dst = n_pad - 1

    kb = (e + NW * CH - 1) // (NW * CH)
    e_pad_b = NW * kb * CH
    src_b = jnp.concatenate(
        [src, jnp.full((e_pad_b - e,), safe_src, jnp.int32)]).reshape(NW, kb, CH)
    dst_b = jnp.concatenate(
        [dst, jnp.full((e_pad_b - e,), safe_dst, jnp.int32)]).reshape(NW, kb, CH)

    kt = (e + NS * CH - 1) // (NS * CH)
    k0 = (kt * 58 + 99) // 100
    k1 = kt - k0
    e_pad = NS * kt * CH

    def skew_slab(a, safe):
        arr = jnp.concatenate(
            [a, jnp.full((e_pad - e,), safe, jnp.int32)]).reshape(NS, kt, CH)
        s0 = arr[:, :k0]
        s1 = jnp.concatenate(
            [arr[:, k0:], jnp.full((NS, k0 - k1, CH), safe, jnp.int32)],
            axis=1)
        return jnp.stack([s0, s1], axis=1).reshape(NW, k0, CH)

    src_p = skew_slab(src, safe_src)
    dst_p = skew_slab(dst, safe_dst)

    zrows_deg = jnp.zeros((CH, DEG_W), jnp.float32)
    onerows = jnp.zeros((CH, DEG_W), jnp.float32).at[:, 0].set(1.0)

    degacc = _make_deg(n_pad, kb, kb)(dst_b, zrows_deg, onerows)
    z1 = _tc_mm_scale(x, W1, degacc)
    z1p = jnp.zeros((n_pad, W1.shape[1]), jnp.float32).at[:n].set(z1)

    d1 = W1.shape[1]
    agg1 = _make_edge_agg(n_pad, d1, kb, kb, z_rows=n_pad)(
        z1p, src_b, dst_b, jnp.zeros((CH, d1), jnp.float32))
    z2 = _tc_layer(z1, agg1, degacc, b1, W2)

    d2 = W2.shape[1]
    agg2 = _make_edge_agg(n_pad, d2, k0, k1, tc_tiling=True)(
        z2, src_p, dst_p, jnp.zeros((CH, d2), jnp.float32))
    out = _tc_layer(z2, agg2, degacc, b2, W3, final_bias=b3)

    return out

# --- scband reference (transcript-rebuilt; emitter-appended) ---
"""Pipeline reference for scband-gcn-5763846111796 (READ-ONLY COPY).

The authoritative reference and input builder live on the scoring server;
editing this copy changes nothing except your own understanding.
"""

import jax, jax.numpy as jnp
import numpy as np


def gcn_conv(x, edge_index, W, b):
    num_nodes = x.shape[0]
    src = edge_index[0]
    dst = edge_index[1]
    # add self loops (PyG GCNConv default add_self_loops=True)
    loop = jnp.arange(num_nodes, dtype=edge_index.dtype)
    src = jnp.concatenate([src, loop])
    dst = jnp.concatenate([dst, loop])
    # symmetric GCN normalization D^{-1/2} (A+I) D^{-1/2}
    deg = jnp.zeros((num_nodes,), dtype=x.dtype).at[dst].add(1.0)
    deg_inv_sqrt = jnp.where(deg > 0, 1.0 / jnp.sqrt(deg), 0.0)
    norm = deg_inv_sqrt[src] * deg_inv_sqrt[dst]
    xw = x @ W
    msg = xw[src] * norm[:, None]
    out = jnp.zeros((num_nodes, W.shape[1]), dtype=x.dtype).at[dst].add(msg)
    return out + b


def setup_inputs(seed: int = 0) -> dict:
    key = jax.random.key(seed)
    k = jax.random.split(key, 8)
    n_nodes, n_edges, d_feat = 10000, 320000, 128
    num_classes = 40
    x = jax.random.normal(k[0], (n_nodes, d_feat), dtype=jnp.float32)
    edge_index = jax.random.randint(k[1], (2, n_edges), 0, n_nodes, dtype=jnp.int64)
    W1 = jax.random.normal(k[2], (d_feat, 64), dtype=jnp.float32) * (1.0 / np.sqrt(d_feat))
    b1 = jnp.zeros((64,), dtype=jnp.float32)
    W2 = jax.random.normal(k[3], (64, 128), dtype=jnp.float32) * (1.0 / np.sqrt(64))
    b2 = jnp.zeros((128,), dtype=jnp.float32)
    W3 = jax.random.normal(k[4], (128, num_classes), dtype=jnp.float32) * (1.0 / np.sqrt(128))
    b3 = jnp.zeros((num_classes,), dtype=jnp.float32)
    return {"x": x, "edge_index": edge_index, "W1": W1, "b1": b1, "W2": W2, "b2": b2, "W3": W3, "b3": b3}


def reference(x, edge_index, W1, b1, W2, b2, W3, b3):
    # conv1 -> tanh -> (dropout treated as identity for deterministic eval) -> conv2 -> tanh -> linear
    h = jnp.tanh(gcn_conv(x, edge_index, W1, b1))
    h = jnp.tanh(gcn_conv(h, edge_index, W2, b2))
    out = h @ W3 + b3
    return out

if __name__ == "__main__":
    import jax
    _d = setup_inputs()
    print(jax.jit(kernel)(*tuple(_d.values())))

</pallas_src>

<mosaic_0001>
#map = affine_map<(d0, d1) -> (0, 0)>
#map1 = affine_map<(d0, d1) -> (0, 0, 0)>
module attributes {stable_mosaic.version = 14 : i64} {
  func.func @body(%arg0: i32, %arg1: i32, %arg2: memref<10000x128xf32, #tpu.memory_space<hbm>>, %arg3: memref<32x92x128xi32, #tpu.memory_space<hbm>>, %arg4: memref<32x92x128xi32, #tpu.memory_space<hbm>>, %arg5: memref<128x128xf32, #tpu.memory_space<hbm>>, %arg6: memref<2x10240x128xf32, #tpu.memory_space<hbm>>, %arg7: memref<92x128xi32, #tpu.memory_space<vmem>>, %arg8: memref<92x128xi32, #tpu.memory_space<vmem>>, %arg9: memref<128x128xf32, #tpu.memory_space<vmem>>, %arg10: memref<10240x128xf32, #tpu.memory_space<vmem_shared>>, %arg11: memref<!tpu.dma_semaphore, #tpu.memory_space<semaphore_mem>>) attributes {dimension_semantics = [#tpu.dimension_semantics<core_parallel>, #tpu.dimension_semantics<subcore_parallel>], iteration_bounds = array<i64: 2, 16>, scalar_prefetch = 0 : i64, scratch_operands = 5 : i64, tpu.core_type = #tpu.core_type<sc_vector_subcore>, window_params = [{transform_indices = #map}, {transform_indices = #map1}, {transform_indices = #map1}, {transform_indices = #map}, {transform_indices = #map1}]} {
    %mul3A = arith.constant 2 : i32
    %mul3A_0 = arith.muli %arg1, %mul3A : i32
    %add3A = arith.addi %mul3A_0, %arg0 : i32
    "tpu.region"() ({
      %run_scoped3A = tpu.sem_alloc : memref<!tpu.dma_semaphore, #tpu.memory_space<semaphore_mem>>
      tpu.enqueue_dma source(%arg5 : memref<128x128xf32, #tpu.memory_space<hbm>>) target(%arg9 : memref<128x128xf32, #tpu.memory_space<vmem>>) target_semaphore(%run_scoped3A : memref<!tpu.dma_semaphore, #tpu.memory_space<semaphore_mem>>)
      tpu.wait_dma2 semaphore(%run_scoped3A : memref<!tpu.dma_semaphore, #tpu.memory_space<semaphore_mem>>) src(%arg5 : memref<128x128xf32, #tpu.memory_space<hbm>>) dst(%arg9 : memref<128x128xf32, #tpu.memory_space<vmem>>)
      tpu.yield
    }) : () -> ()
    %scan3A = arith.constant 0 : i32
    %scan3A_1 = arith.constant 0 : i32
    %scan3A_2 = arith.constant 5 : i32
    %scan3A_3 = arith.addi %scan3A_1, %scan3A_2 : i32
    %scan3A_4 = arith.constant 1 : i32
    scf.for %scan3A_24 = %scan3A_1 to %scan3A_3 step %scan3A_4  : i32 {
      %mul3A_25 = arith.constant 640 : i32
      %mul3A_26 = arith.muli %arg1, %mul3A_25 : i32
      %mul3A_27 = arith.constant 128 : i32
      %mul3A_28 = arith.muli %scan3A_24, %mul3A_27 : i32
      %add3A_29 = arith.addi %mul3A_26, %mul3A_28 : i32
      "tpu.region"() ({
        %run_scoped3A = tpu.sem_alloc : memref<!tpu.dma_semaphore, #tpu.memory_space<semaphore_mem>>
        %dma_start3A = arith.constant 0 : i32
        %dma_start3A_30 = tpu.memref_slice %arg10[%add3A_29, %dma_start3A] : memref<10240x128xf32, #tpu.memory_space<vmem_shared>> -> memref<128x128xf32, #tpu.memory_space<vmem_shared>>
        %dma_start3A_31 = arith.constant 0 : i32
        %dma_start3A_32 = tpu.memref_slice %arg10[%add3A_29, %dma_start3A_31] : memref<10240x128xf32, #tpu.memory_space<vmem_shared>> -> memref<128x128xf32, #tpu.memory_space<vmem_shared>>
        tpu.enqueue_dma source(%arg9 : memref<128x128xf32, #tpu.memory_space<vmem>>) target(%dma_start3A_32 : memref<128x128xf32, #tpu.memory_space<vmem_shared>>) target_semaphore(%run_scoped3A : memref<!tpu.dma_semaphore, #tpu.memory_space<semaphore_mem>>)
        %dma_wait3A = arith.constant 0 : i32
        %dma_wait3A_33 = tpu.memref_slice %arg10[%add3A_29, %dma_wait3A] : memref<10240x128xf32, #tpu.memory_space<vmem_shared>> -> memref<128x128xf32, #tpu.memory_space<vmem_shared>>
        %dma_wait3A_34 = arith.constant 0 : i32
        %dma_wait3A_35 = tpu.memref_slice %arg10[%add3A_29, %dma_wait3A_34] : memref<10240x128xf32, #tpu.memory_space<vmem_shared>> -> memref<128x128xf32, #tpu.memory_space<vmem_shared>>
        tpu.wait_dma2 semaphore(%run_scoped3A : memref<!tpu.dma_semaphore, #tpu.memory_space<semaphore_mem>>) src(%arg9 : memref<128x128xf32, #tpu.memory_space<vmem>>) dst(%dma_wait3A_35 : memref<128x128xf32, #tpu.memory_space<vmem_shared>>)
        tpu.yield
      }) : () -> ()
    }
    %scan3A_5 = arith.constant 5 : i32
    "tpu.region"() ({
      %run_scoped3A = tpu.sem_alloc : memref<!tpu.dma_semaphore, #tpu.memory_space<semaphore_mem>>
      %dma_start3A = arith.constant 0 : i32
      %dma_start3A_24 = arith.constant 0 : i32
      %dma_start3A_25 = tpu.memref_slice %arg3[%add3A, %dma_start3A, %dma_start3A_24] : memref<32x92x128xi32, #tpu.memory_space<hbm>> -> memref<1x92x128xi32, #tpu.memory_space<hbm>>
      %dma_start3A_26 = tpu.memref_squeeze %dma_start3A_25 : memref<1x92x128xi32, #tpu.memory_space<hbm>> -> memref<92x128xi32, #tpu.memory_space<hbm>>
      %dma_start3A_27 = arith.constant 0 : i32
      %dma_start3A_28 = arith.constant 0 : i32
      %dma_start3A_29 = tpu.memref_slice %arg3[%add3A, %dma_start3A_27, %dma_start3A_28] : memref<32x92x128xi32, #tpu.memory_space<hbm>> -> memref<1x92x128xi32, #tpu.memory_space<hbm>>
      %dma_start3A_30 = tpu.memref_squeeze %dma_start3A_29 : memref<1x92x128xi32, #tpu.memory_space<hbm>> -> memref<92x128xi32, #tpu.memory_space<hbm>>
      tpu.enqueue_dma source(%dma_start3A_30 : memref<92x128xi32, #tpu.memory_space<hbm>>) target(%arg7 : memref<92x128xi32, #tpu.memory_space<vmem>>) target_semaphore(%run_scoped3A : memref<!tpu.dma_semaphore, #tpu.memory_space<semaphore_mem>>)
      %dma_wait3A = arith.constant 0 : i32
      %dma_wait3A_31 = arith.constant 0 : i32
      %dma_wait3A_32 = tpu.memref_slice %arg3[%add3A, %dma_wait3A, %dma_wait3A_31] : memref<32x92x128xi32, #tpu.memory_space<hbm>> -> memref<1x92x128xi32, #tpu.memory_space<hbm>>
      %dma_wait3A_33 = tpu.memref_squeeze %dma_wait3A_32 : memref<1x92x128xi32, #tpu.memory_space<hbm>> -> memref<92x128xi32, #tpu.memory_space<hbm>>
      %dma_wait3A_34 = arith.constant 0 : i32
      %dma_wait3A_35 = arith.constant 0 : i32
      %dma_wait3A_36 = tpu.memref_slice %arg3[%add3A, %dma_wait3A_34, %dma_wait3A_35] : memref<32x92x128xi32, #tpu.memory_space<hbm>> -> memref<1x92x128xi32, #tpu.memory_space<hbm>>
      %dma_wait3A_37 = tpu.memref_squeeze %dma_wait3A_36 : memref<1x92x128xi32, #tpu.memory_space<hbm>> -> memref<92x128xi32, #tpu.memory_space<hbm>>
      tpu.wait_dma2 semaphore(%run_scoped3A : memref<!tpu.dma_semaphore, #tpu.memory_space<semaphore_mem>>) src(%dma_wait3A_37 : memref<92x128xi32, #tpu.memory_space<hbm>>) dst(%arg7 : memref<92x128xi32, #tpu.memory_space<vmem>>)
      tpu.yield
    }) : () -> ()
    "tpu.region"() ({
      %run_scoped3A = tpu.sem_alloc : memref<!tpu.dma_semaphore, #tpu.memory_space<semaphore_mem>>
      %dma_start3A = arith.constant 0 : i32
      %dma_start3A_24 = arith.constant 0 : i32
      %dma_start3A_25 = tpu.memref_slice %arg4[%add3A, %dma_start3A, %dma_start3A_24] : memref<32x92x128xi32, #tpu.memory_space<hbm>> -> memref<1x92x128xi32, #tpu.memory_space<hbm>>
      %dma_start3A_26 = tpu.memref_squeeze %dma_start3A_25 : memref<1x92x128xi32, #tpu.memory_space<hbm>> -> memref<92x128xi32, #tpu.memory_space<hbm>>
      %dma_start3A_27 = arith.constant 0 : i32
      %dma_start3A_28 = arith.constant 0 : i32
      %dma_start3A_29 = tpu.memref_slice %arg4[%add3A, %dma_start3A_27, %dma_start3A_28] : memref<32x92x128xi32, #tpu.memory_space<hbm>> -> memref<1x92x128xi32, #tpu.memory_space<hbm>>
      %dma_start3A_30 = tpu.memref_squeeze %dma_start3A_29 : memref<1x92x128xi32, #tpu.memory_space<hbm>> -> memref<92x128xi32, #tpu.memory_space<hbm>>
      tpu.enqueue_dma source(%dma_start3A_30 : memref<92x128xi32, #tpu.memory_space<hbm>>) target(%arg8 : memref<92x128xi32, #tpu.memory_space<vmem>>) target_semaphore(%run_scoped3A : memref<!tpu.dma_semaphore, #tpu.memory_space<semaphore_mem>>)
      %dma_wait3A = arith.constant 0 : i32
      %dma_wait3A_31 = arith.constant 0 : i32
      %dma_wait3A_32 = tpu.memref_slice %arg4[%add3A, %dma_wait3A, %dma_wait3A_31] : memref<32x92x128xi32, #tpu.memory_space<hbm>> -> memref<1x92x128xi32, #tpu.memory_space<hbm>>
      %dma_wait3A_33 = tpu.memref_squeeze %dma_wait3A_32 : memref<1x92x128xi32, #tpu.memory_space<hbm>> -> memref<92x128xi32, #tpu.memory_space<hbm>>
      %dma_wait3A_34 = arith.constant 0 : i32
      %dma_wait3A_35 = arith.constant 0 : i32
      %dma_wait3A_36 = tpu.memref_slice %arg4[%add3A, %dma_wait3A_34, %dma_wait3A_35] : memref<32x92x128xi32, #tpu.memory_space<hbm>> -> memref<1x92x128xi32, #tpu.memory_space<hbm>>
      %dma_wait3A_37 = tpu.memref_squeeze %dma_wait3A_36 : memref<1x92x128xi32, #tpu.memory_space<hbm>> -> memref<92x128xi32, #tpu.memory_space<hbm>>
      tpu.wait_dma2 semaphore(%run_scoped3A : memref<!tpu.dma_semaphore, #tpu.memory_space<semaphore_mem>>) src(%dma_wait3A_37 : memref<92x128xi32, #tpu.memory_space<hbm>>) dst(%arg8 : memref<92x128xi32, #tpu.memory_space<vmem>>)
      tpu.yield
    }) : () -> ()
    %barrier3A = arith.constant 0 : index
    tpu.barrier barrier_id(%barrier3A)
    %eq3A = arith.constant 0 : i32
    %eq3A_6 = arith.cmpi eq, %arg0, %eq3A : i32
    %jit3A = arith.constant 92 : i32
    %jit3A_7 = arith.constant 65 : i32
    %select_n3A = arith.select %eq3A_6, %jit3A, %jit3A_7 : i32
    %while3A = arith.constant 0 : i32
    %while3A_8 = arith.constant 0 : i32
    %while3A_9 = arith.subi %select_n3A, %while3A_8 : i32
    %while3A_10 = arith.addi %while3A_8, %while3A_9 : i32
    %while3A_11 = arith.constant 1 : i32
    %while3A_12 = arith.divsi %while3A_9, %while3A_11 : i32
    %while3A_13 = arith.muli %while3A_12, %while3A_11 : i32
    %while3A_14 = arith.addi %while3A_8, %while3A_13 : i32
    %while3A_15 = arith.constant 1 : i32
    scf.for %while3A_24 = %while3A_8 to %while3A_14 step %while3A_15  : i32 {
      %dma_start3A = arith.constant 0 : i32
      %dma_start3A_25 = tpu.memref_slice %arg7[%while3A_24, %dma_start3A] : memref<92x128xi32, #tpu.memory_space<vmem>> -> memref<1x128xi32, #tpu.memory_space<vmem>>
      %dma_start3A_26 = tpu.memref_squeeze %dma_start3A_25 : memref<1x128xi32, #tpu.memory_space<vmem>> -> memref<128xi32, #tpu.memory_space<vmem>>
      %dma_start3A_27 = arith.constant 0 : i32
      %dma_start3A_28 = arith.constant 0 : i32
      %dma_start3A_29 = tpu.memref_slice %arg2[%dma_start3A_27, %dma_start3A_28] : memref<10000x128xf32, #tpu.memory_space<hbm>> -> memref<10000x128xf32, #tpu.memory_space<hbm>>
      tpu.enqueue_indirect_dma source(%dma_start3A_29 : memref<10000x128xf32, #tpu.memory_space<hbm>>) target(%arg9 : memref<128x128xf32, #tpu.memory_space<vmem>>) offsets(%dma_start3A_26 : memref<128xi32, #tpu.memory_space<vmem>>) semaphore(%arg11 : memref<!tpu.dma_semaphore, #tpu.memory_space<semaphore_mem>>)
      %dma_wait3A = arith.constant 0 : i32
      %dma_wait3A_30 = tpu.memref_slice %arg7[%while3A_24, %dma_wait3A] : memref<92x128xi32, #tpu.memory_space<vmem>> -> memref<1x128xi32, #tpu.memory_space<vmem>>
      %dma_wait3A_31 = tpu.memref_squeeze %dma_wait3A_30 : memref<1x128xi32, #tpu.memory_space<vmem>> -> memref<128xi32, #tpu.memory_space<vmem>>
      %dma_wait3A_32 = arith.constant 0 : i32
      %dma_wait3A_33 = arith.constant 0 : i32
      %dma_wait3A_34 = tpu.memref_slice %arg2[%dma_wait3A_32, %dma_wait3A_33] : memref<10000x128xf32, #tpu.memory_space<hbm>> -> memref<10000x128xf32, #tpu.memory_space<hbm>>
      tpu.wait_indirect_dma semaphore(%arg11 : memref<!tpu.dma_semaphore, #tpu.memory_space<semaphore_mem>>) src(%dma_wait3A_34 : memref<10000x128xf32, #tpu.memory_space<hbm>>) dst(%arg9 : memref<128x128xf32, #tpu.memory_space<vmem>>)
      "tpu.region"() ({
        %run_scoped3A = tpu.sem_alloc : memref<!tpu.dma_semaphore, #tpu.memory_space<semaphore_mem>>
        %dma_start3A_35 = arith.constant 0 : i32
        %dma_start3A_36 = tpu.memref_slice %arg8[%while3A_24, %dma_start3A_35] : memref<92x128xi32, #tpu.memory_space<vmem>> -> memref<1x128xi32, #tpu.memory_space<vmem>>
        %dma_start3A_37 = tpu.memref_squeeze %dma_start3A_36 : memref<1x128xi32, #tpu.memory_space<vmem>> -> memref<128xi32, #tpu.memory_space<vmem>>
        %dma_start3A_38 = arith.constant 0 : i32
        %dma_start3A_39 = arith.constant 0 : i32
        %dma_start3A_40 = tpu.memref_slice %arg10[%dma_start3A_38, %dma_start3A_39] : memref<10240x128xf32, #tpu.memory_space<vmem_shared>> -> memref<10240x128xf32, #tpu.memory_space<vmem_shared>>
        tpu.enqueue_indirect_dma source(%arg9 : memref<128x128xf32, #tpu.memory_space<vmem>>) target(%dma_start3A_40 : memref<10240x128xf32, #tpu.memory_space<vmem_shared>>) offsets(%dma_start3A_37 : memref<128xi32, #tpu.memory_space<vmem>>) semaphore(%run_scoped3A : memref<!tpu.dma_semaphore, #tpu.memory_space<semaphore_mem>>) {add = true}
        %dma_wait3A_41 = arith.constant 0 : i32
        %dma_wait3A_42 = tpu.memref_slice %arg8[%while3A_24, %dma_wait3A_41] : memref<92x128xi32, #tpu.memory_space<vmem>> -> memref<1x128xi32, #tpu.memory_space<vmem>>
        %dma_wait3A_43 = tpu.memref_squeeze %dma_wait3A_42 : memref<1x128xi32, #tpu.memory_space<vmem>> -> memref<128xi32, #tpu.memory_space<vmem>>
        %dma_wait3A_44 = arith.constant 0 : i32
        %dma_wait3A_45 = arith.constant 0 : i32
        %dma_wait3A_46 = tpu.memref_slice %arg10[%dma_wait3A_44, %dma_wait3A_45] : memref<10240x128xf32, #tpu.memory_space<vmem_shared>> -> memref<10240x128xf32, #tpu.memory_space<vmem_shared>>
        tpu.wait_indirect_dma semaphore(%run_scoped3A : memref<!tpu.dma_semaphore, #tpu.memory_space<semaphore_mem>>) src(%arg9 : memref<128x128xf32, #tpu.memory_space<vmem>>) dst(%dma_wait3A_46 : memref<10240x128xf32, #tpu.memory_space<vmem_shared>>)
        tpu.yield
      }) : () -> ()
    }
    %while3A_16 = arith.constant 1 : i32
    scf.for %while3A_24 = %while3A_14 to %while3A_10 step %while3A_16  : i32 {
      %dma_start3A = arith.constant 0 : i32
      %dma_start3A_25 = tpu.memref_slice %arg7[%while3A_24, %dma_start3A] : memref<92x128xi32, #tpu.memory_space<vmem>> -> memref<1x128xi32, #tpu.memory_space<vmem>>
      %dma_start3A_26 = tpu.memref_squeeze %dma_start3A_25 : memref<1x128xi32, #tpu.memory_space<vmem>> -> memref<128xi32, #tpu.memory_space<vmem>>
      %dma_start3A_27 = arith.constant 0 : i32
      %dma_start3A_28 = arith.constant 0 : i32
      %dma_start3A_29 = tpu.memref_slice %arg2[%dma_start3A_27, %dma_start3A_28] : memref<10000x128xf32, #tpu.memory_space<hbm>> -> memref<10000x128xf32, #tpu.memory_space<hbm>>
      tpu.enqueue_indirect_dma source(%dma_start3A_29 : memref<10000x128xf32, #tpu.memory_space<hbm>>) target(%arg9 : memref<128x128xf32, #tpu.memory_space<vmem>>) offsets(%dma_start3A_26 : memref<128xi32, #tpu.memory_space<vmem>>) semaphore(%arg11 : memref<!tpu.dma_semaphore, #tpu.memory_space<semaphore_mem>>)
      %dma_wait3A = arith.constant 0 : i32
      %dma_wait3A_30 = tpu.memref_slice %arg7[%while3A_24, %dma_wait3A] : memref<92x128xi32, #tpu.memory_space<vmem>> -> memref<1x128xi32, #tpu.memory_space<vmem>>
      %dma_wait3A_31 = tpu.memref_squeeze %dma_wait3A_30 : memref<1x128xi32, #tpu.memory_space<vmem>> -> memref<128xi32, #tpu.memory_space<vmem>>
      %dma_wait3A_32 = arith.constant 0 : i32
      %dma_wait3A_33 = arith.constant 0 : i32
      %dma_wait3A_34 = tpu.memref_slice %arg2[%dma_wait3A_32, %dma_wait3A_33] : memref<10000x128xf32, #tpu.memory_space<hbm>> -> memref<10000x128xf32, #tpu.memory_space<hbm>>
      tpu.wait_indirect_dma semaphore(%arg11 : memref<!tpu.dma_semaphore, #tpu.memory_space<semaphore_mem>>) src(%dma_wait3A_34 : memref<10000x128xf32, #tpu.memory_space<hbm>>) dst(%arg9 : memref<128x128xf32, #tpu.memory_space<vmem>>)
      "tpu.region"() ({
        %run_scoped3A = tpu.sem_alloc : memref<!tpu.dma_semaphore, #tpu.memory_space<semaphore_mem>>
        %dma_start3A_35 = arith.constant 0 : i32
        %dma_start3A_36 = tpu.memref_slice %arg8[%while3A_24, %dma_start3A_35] : memref<92x128xi32, #tpu.memory_space<vmem>> -> memref<1x128xi32, #tpu.memory_space<vmem>>
        %dma_start3A_37 = tpu.memref_squeeze %dma_start3A_36 : memref<1x128xi32, #tpu.memory_space<vmem>> -> memref<128xi32, #tpu.memory_space<vmem>>
        %dma_start3A_38 = arith.constant 0 : i32
        %dma_start3A_39 = arith.constant 0 : i32
        %dma_start3A_40 = tpu.memref_slice %arg10[%dma_start3A_38, %dma_start3A_39] : memref<10240x128xf32, #tpu.memory_space<vmem_shared>> -> memref<10240x128xf32, #tpu.memory_space<vmem_shared>>
        tpu.enqueue_indirect_dma source(%arg9 : memref<128x128xf32, #tpu.memory_space<vmem>>) target(%dma_start3A_40 : memref<10240x128xf32, #tpu.memory_space<vmem_shared>>) offsets(%dma_start3A_37 : memref<128xi32, #tpu.memory_space<vmem>>) semaphore(%run_scoped3A : memref<!tpu.dma_semaphore, #tpu.memory_space<semaphore_mem>>) {add = true}
        %dma_wait3A_41 = arith.constant 0 : i32
        %dma_wait3A_42 = tpu.memref_slice %arg8[%while3A_24, %dma_wait3A_41] : memref<92x128xi32, #tpu.memory_space<vmem>> -> memref<1x128xi32, #tpu.memory_space<vmem>>
        %dma_wait3A_43 = tpu.memref_squeeze %dma_wait3A_42 : memref<1x128xi32, #tpu.memory_space<vmem>> -> memref<128xi32, #tpu.memory_space<vmem>>
        %dma_wait3A_44 = arith.constant 0 : i32
        %dma_wait3A_45 = arith.constant 0 : i32
        %dma_wait3A_46 = tpu.memref_slice %arg10[%dma_wait3A_44, %dma_wait3A_45] : memref<10240x128xf32, #tpu.memory_space<vmem_shared>> -> memref<10240x128xf32, #tpu.memory_space<vmem_shared>>
        tpu.wait_indirect_dma semaphore(%run_scoped3A : memref<!tpu.dma_semaphore, #tpu.memory_space<semaphore_mem>>) src(%arg9 : memref<128x128xf32, #tpu.memory_space<vmem>>) dst(%dma_wait3A_46 : memref<10240x128xf32, #tpu.memory_space<vmem_shared>>)
        tpu.yield
      }) : () -> ()
    }
    %barrier3A_17 = arith.constant 0 : index
    tpu.barrier barrier_id(%barrier3A_17)
    %scan3A_18 = arith.constant 0 : i32
    %scan3A_19 = arith.constant 0 : i32
    %scan3A_20 = arith.constant 5 : i32
    %scan3A_21 = arith.addi %scan3A_19, %scan3A_20 : i32
    %scan3A_22 = arith.constant 1 : i32
    scf.for %scan3A_24 = %scan3A_19 to %scan3A_21 step %scan3A_22  : i32 {
      %mul3A_25 = arith.constant 640 : i32
      %mul3A_26 = arith.muli %arg1, %mul3A_25 : i32
      %mul3A_27 = arith.constant 128 : i32
      %mul3A_28 = arith.muli %scan3A_24, %mul3A_27 : i32
      %add3A_29 = arith.addi %mul3A_26, %mul3A_28 : i32
      "tpu.region"() ({
        %run_scoped3A = tpu.sem_alloc : memref<!tpu.dma_semaphore, #tpu.memory_space<semaphore_mem>>
        %dma_start3A = arith.constant 0 : i32
        %dma_start3A_35 = tpu.memref_slice %arg10[%add3A_29, %dma_start3A] : memref<10240x128xf32, #tpu.memory_space<vmem_shared>> -> memref<128x128xf32, #tpu.memory_space<vmem_shared>>
        %dma_start3A_36 = arith.constant 0 : i32
        %dma_start3A_37 = tpu.memref_slice %arg10[%add3A_29, %dma_start3A_36] : memref<10240x128xf32, #tpu.memory_space<vmem_shared>> -> memref<128x128xf32, #tpu.memory_space<vmem_shared>>
        tpu.enqueue_dma source(%dma_start3A_37 : memref<128x128xf32, #tpu.memory_space<vmem_shared>>) target(%arg9 : memref<128x128xf32, #tpu.memory_space<vmem>>) target_semaphore(%run_scoped3A : memref<!tpu.dma_semaphore, #tpu.memory_space<semaphore_mem>>)
        %dma_wait3A = arith.constant 0 : i32
        %dma_wait3A_38 = tpu.memref_slice %arg10[%add3A_29, %dma_wait3A] : memref<10240x128xf32, #tpu.memory_space<vmem_shared>> -> memref<128x128xf32, #tpu.memory_space<vmem_shared>>
        %dma_wait3A_39 = arith.constant 0 : i32
        %dma_wait3A_40 = tpu.memref_slice %arg10[%add3A_29, %dma_wait3A_39] : memref<10240x128xf32, #tpu.memory_space<vmem_shared>> -> memref<128x128xf32, #tpu.memory_space<vmem_shared>>
        tpu.wait_dma2 semaphore(%run_scoped3A : memref<!tpu.dma_semaphore, #tpu.memory_space<semaphore_mem>>) src(%dma_wait3A_40 : memref<128x128xf32, #tpu.memory_space<vmem_shared>>) dst(%arg9 : memref<128x128xf32, #tpu.memory_space<vmem>>)
        tpu.yield
      }) : () -> ()
      %mul3A_30 = arith.constant 640 : i32
      %mul3A_31 = arith.muli %arg1, %mul3A_30 : i32
      %mul3A_32 = arith.constant 128 : i32
      %mul3A_33 = arith.muli %scan3A_24, %mul3A_32 : i32
      %add3A_34 = arith.addi %mul3A_31, %mul3A_33 : i32
      "tpu.region"() ({
        %run_scoped3A = tpu.sem_alloc : memref<!tpu.dma_semaphore, #tpu.memory_space<semaphore_mem>>
        %dma_start3A = arith.constant 0 : i32
        %dma_start3A_35 = tpu.memref_slice %arg6[%arg0, %add3A_34, %dma_start3A] : memref<2x10240x128xf32, #tpu.memory_space<hbm>> -> memref<1x128x128xf32, #tpu.memory_space<hbm>>
        %dma_start3A_36 = tpu.memref_squeeze %dma_start3A_35 : memref<1x128x128xf32, #tpu.memory_space<hbm>> -> memref<128x128xf32, #tpu.memory_space<hbm>>
        %dma_start3A_37 = arith.constant 0 : i32
        %dma_start3A_38 = tpu.memref_slice %arg6[%arg0, %add3A_34, %dma_start3A_37] : memref<2x10240x128xf32, #tpu.memory_space<hbm>> -> memref<1x128x128xf32, #tpu.memory_space<hbm>>
        %dma_start3A_39 = tpu.memref_squeeze %dma_start3A_38 : memref<1x128x128xf32, #tpu.memory_space<hbm>> -> memref<128x128xf32, #tpu.memory_space<hbm>>
        tpu.enqueue_dma source(%arg9 : memref<128x128xf32, #tpu.memory_space<vmem>>) target(%dma_start3A_39 : memref<128x128xf32, #tpu.memory_space<hbm>>) target_semaphore(%run_scoped3A : memref<!tpu.dma_semaphore, #tpu.memory_space<semaphore_mem>>)
        %dma_wait3A = arith.constant 0 : i32
        %dma_wait3A_40 = tpu.memref_slice %arg6[%arg0, %add3A_34, %dma_wait3A] : memref<2x10240x128xf32, #tpu.memory_space<hbm>> -> memref<1x128x128xf32, #tpu.memory_space<hbm>>
        %dma_wait3A_41 = tpu.memref_squeeze %dma_wait3A_40 : memref<1x128x128xf32, #tpu.memory_space<hbm>> -> memref<128x128xf32, #tpu.memory_space<hbm>>
        %dma_wait3A_42 = arith.constant 0 : i32
        %dma_wait3A_43 = tpu.memref_slice %arg6[%arg0, %add3A_34, %dma_wait3A_42] : memref<2x10240x128xf32, #tpu.memory_space<hbm>> -> memref<1x128x128xf32, #tpu.memory_space<hbm>>
        %dma_wait3A_44 = tpu.memref_squeeze %dma_wait3A_43 : memref<1x128x128xf32, #tpu.memory_space<hbm>> -> memref<128x128xf32, #tpu.memory_space<hbm>>
        tpu.wait_dma2 semaphore(%run_scoped3A : memref<!tpu.dma_semaphore, #tpu.memory_space<semaphore_mem>>) src(%arg9 : memref<128x128xf32, #tpu.memory_space<vmem>>) dst(%dma_wait3A_44 : memref<128x128xf32, #tpu.memory_space<hbm>>)
        tpu.yield
      }) : () -> ()
    }
    %scan3A_23 = arith.constant 5 : i32
    return
  }
}

#map = affine_map<(d0, d1) -> (0, 0, 0)>
#map1 = affine_map<(d0, d1) -> (0, 0)>
module attributes {stable_mosaic.version = 14 : i64} {
  func.func @body(%arg0: i32, %arg1: i32, %arg2: memref<32x79x128xi32, #tpu.memory_space<hbm>>, %arg3: memref<128x16xf32, #tpu.memory_space<hbm>>, %arg4: memref<128x16xf32, #tpu.memory_space<hbm>>, %arg5: memref<2x10240x16xf32, #tpu.memory_space<hbm>>, %arg6: memref<79x128xi32, #tpu.memory_space<vmem>>, %arg7: memref<128x16xf32, #tpu.memory_space<vmem>>, %arg8: memref<128x16xf32, #tpu.memory_space<vmem>>, %arg9: memref<10240x16xf32, #tpu.memory_space<vmem_shared>>) attributes {dimension_semantics = [#tpu.dimension_semantics<core_parallel>, #tpu.dimension_semantics<subcore_parallel>], iteration_bounds = array<i64: 2, 16>, scalar_prefetch = 0 : i64, scratch_operands = 4 : i64, tpu.core_type = #tpu.core_type<sc_vector_subcore>, window_params = [{transform_indices = #map}, {transform_indices = #map1}, {transform_indices = #map1}, {transform_indices = #map}]} {
    %mul3A = arith.constant 2 : i32
    %mul3A_0 = arith.muli %arg1, %mul3A : i32
    %add3A = arith.addi %mul3A_0, %arg0 : i32
    "tpu.region"() ({
      %run_scoped3A = tpu.sem_alloc : memref<!tpu.dma_semaphore, #tpu.memory_space<semaphore_mem>>
      tpu.enqueue_dma source(%arg3 : memref<128x16xf32, #tpu.memory_space<hbm>>) target(%arg7 : memref<128x16xf32, #tpu.memory_space<vmem>>) target_semaphore(%run_scoped3A : memref<!tpu.dma_semaphore, #tpu.memory_space<semaphore_mem>>)
      tpu.wait_dma2 semaphore(%run_scoped3A : memref<!tpu.dma_semaphore, #tpu.memory_space<semaphore_mem>>) src(%arg3 : memref<128x16xf32, #tpu.memory_space<hbm>>) dst(%arg7 : memref<128x16xf32, #tpu.memory_space<vmem>>)
      tpu.yield
    }) : () -> ()
    "tpu.region"() ({
      %run_scoped3A = tpu.sem_alloc : memref<!tpu.dma_semaphore, #tpu.memory_space<semaphore_mem>>
      tpu.enqueue_dma source(%arg4 : memref<128x16xf32, #tpu.memory_space<hbm>>) target(%arg8 : memref<128x16xf32, #tpu.memory_space<vmem>>) target_semaphore(%run_scoped3A : memref<!tpu.dma_semaphore, #tpu.memory_space<semaphore_mem>>)
      tpu.wait_dma2 semaphore(%run_scoped3A : memref<!tpu.dma_semaphore, #tpu.memory_space<semaphore_mem>>) src(%arg4 : memref<128x16xf32, #tpu.memory_space<hbm>>) dst(%arg8 : memref<128x16xf32, #tpu.memory_space<vmem>>)
      tpu.yield
    }) : () -> ()
    %scan3A = arith.constant 0 : i32
    %scan3A_1 = arith.constant 0 : i32
    %scan3A_2 = arith.constant 5 : i32
    %scan3A_3 = arith.addi %scan3A_1, %scan3A_2 : i32
    %scan3A_4 = arith.constant 1 : i32
    scf.for %scan3A_24 = %scan3A_1 to %scan3A_3 step %scan3A_4  : i32 {
      %mul3A_25 = arith.constant 640 : i32
      %mul3A_26 = arith.muli %arg1, %mul3A_25 : i32
      %mul3A_27 = arith.constant 128 : i32
      %mul3A_28 = arith.muli %scan3A_24, %mul3A_27 : i32
      %add3A_29 = arith.addi %mul3A_26, %mul3A_28 : i32
      "tpu.region"() ({
        %run_scoped3A = tpu.sem_alloc : memref<!tpu.dma_semaphore, #tpu.memory_space<semaphore_mem>>
        %dma_start3A = arith.constant 0 : i32
        %dma_start3A_30 = tpu.memref_slice %arg9[%add3A_29, %dma_start3A] : memref<10240x16xf32, #tpu.memory_space<vmem_shared>> -> memref<128x16xf32, #tpu.memory_space<vmem_shared>>
        %dma_start3A_31 = arith.constant 0 : i32
        %dma_start3A_32 = tpu.memref_slice %arg9[%add3A_29, %dma_start3A_31] : memref<10240x16xf32, #tpu.memory_space<vmem_shared>> -> memref<128x16xf32, #tpu.memory_space<vmem_shared>>
        tpu.enqueue_dma source(%arg7 : memref<128x16xf32, #tpu.memory_space<vmem>>) target(%dma_start3A_32 : memref<128x16xf32, #tpu.memory_space<vmem_shared>>) target_semaphore(%run_scoped3A : memref<!tpu.dma_semaphore, #tpu.memory_space<semaphore_mem>>)
        %dma_wait3A = arith.constant 0 : i32
        %dma_wait3A_33 = tpu.memref_slice %arg9[%add3A_29, %dma_wait3A] : memref<10240x16xf32, #tpu.memory_space<vmem_shared>> -> memref<128x16xf32, #tpu.memory_space<vmem_shared>>
        %dma_wait3A_34 = arith.constant 0 : i32
        %dma_wait3A_35 = tpu.memref_slice %arg9[%add3A_29, %dma_wait3A_34] : memref<10240x16xf32, #tpu.memory_space<vmem_shared>> -> memref<128x16xf32, #tpu.memory_space<vmem_shared>>
        tpu.wait_dma2 semaphore(%run_scoped3A : memref<!tpu.dma_semaphore, #tpu.memory_space<semaphore_mem>>) src(%arg7 : memref<128x16xf32, #tpu.memory_space<vmem>>) dst(%dma_wait3A_35 : memref<128x16xf32, #tpu.memory_space<vmem_shared>>)
        tpu.yield
      }) : () -> ()
    }
    %scan3A_5 = arith.constant 5 : i32
    "tpu.region"() ({
      %run_scoped3A = tpu.sem_alloc : memref<!tpu.dma_semaphore, #tpu.memory_space<semaphore_mem>>
      %dma_start3A = arith.constant 0 : i32
      %dma_start3A_24 = arith.constant 0 : i32
      %dma_start3A_25 = tpu.memref_slice %arg2[%add3A, %dma_start3A, %dma_start3A_24] : memref<32x79x128xi32, #tpu.memory_space<hbm>> -> memref<1x79x128xi32, #tpu.memory_space<hbm>>
      %dma_start3A_26 = tpu.memref_squeeze %dma_start3A_25 : memref<1x79x128xi32, #tpu.memory_space<hbm>> -> memref<79x128xi32, #tpu.memory_space<hbm>>
      %dma_start3A_27 = arith.constant 0 : i32
      %dma_start3A_28 = arith.constant 0 : i32
      %dma_start3A_29 = tpu.memref_slice %arg2[%add3A, %dma_start3A_27, %dma_start3A_28] : memref<32x79x128xi32, #tpu.memory_space<hbm>> -> memref<1x79x128xi32, #tpu.memory_space<hbm>>
      %dma_start3A_30 = tpu.memref_squeeze %dma_start3A_29 : memref<1x79x128xi32, #tpu.memory_space<hbm>> -> memref<79x128xi32, #tpu.memory_space<hbm>>
      tpu.enqueue_dma source(%dma_start3A_30 : memref<79x128xi32, #tpu.memory_space<hbm>>) target(%arg6 : memref<79x128xi32, #tpu.memory_space<vmem>>) target_semaphore(%run_scoped3A : memref<!tpu.dma_semaphore, #tpu.memory_space<semaphore_mem>>)
      %dma_wait3A = arith.constant 0 : i32
      %dma_wait3A_31 = arith.constant 0 : i32
      %dma_wait3A_32 = tpu.memref_slice %arg2[%add3A, %dma_wait3A, %dma_wait3A_31] : memref<32x79x128xi32, #tpu.memory_space<hbm>> -> memref<1x79x128xi32, #tpu.memory_space<hbm>>
      %dma_wait3A_33 = tpu.memref_squeeze %dma_wait3A_32 : memref<1x79x128xi32, #tpu.memory_space<hbm>> -> memref<79x128xi32, #tpu.memory_space<hbm>>
      %dma_wait3A_34 = arith.constant 0 : i32
      %dma_wait3A_35 = arith.constant 0 : i32
      %dma_wait3A_36 = tpu.memref_slice %arg2[%add3A, %dma_wait3A_34, %dma_wait3A_35] : memref<32x79x128xi32, #tpu.memory_space<hbm>> -> memref<1x79x128xi32, #tpu.memory_space<hbm>>
      %dma_wait3A_37 = tpu.memref_squeeze %dma_wait3A_36 : memref<1x79x128xi32, #tpu.memory_space<hbm>> -> memref<79x128xi32, #tpu.memory_space<hbm>>
      tpu.wait_dma2 semaphore(%run_scoped3A : memref<!tpu.dma_semaphore, #tpu.memory_space<semaphore_mem>>) src(%dma_wait3A_37 : memref<79x128xi32, #tpu.memory_space<hbm>>) dst(%arg6 : memref<79x128xi32, #tpu.memory_space<vmem>>)
      tpu.yield
    }) : () -> ()
    %barrier3A = arith.constant 0 : index
    tpu.barrier barrier_id(%barrier3A)
    %eq3A = arith.constant 0 : i32
    %eq3A_6 = arith.cmpi eq, %arg0, %eq3A : i32
    %jit3A = arith.constant 79 : i32
    %jit3A_7 = arith.constant 79 : i32
    %select_n3A = arith.select %eq3A_6, %jit3A, %jit3A_7 : i32
    %while3A = arith.constant 0 : i32
    %while3A_8 = arith.constant 0 : i32
    %while3A_9 = arith.subi %select_n3A, %while3A_8 : i32
    %while3A_10 = arith.addi %while3A_8, %while3A_9 : i32
    %while3A_11 = arith.constant 1 : i32
    %while3A_12 = arith.divsi %while3A_9, %while3A_11 : i32
    %while3A_13 = arith.muli %while3A_12, %while3A_11 : i32
    %while3A_14 = arith.addi %while3A_8, %while3A_13 : i32
    %while3A_15 = arith.constant 1 : i32
    scf.for %while3A_24 = %while3A_8 to %while3A_14 step %while3A_15  : i32 {
      "tpu.region"() ({
        %run_scoped3A = tpu.sem_alloc : memref<!tpu.dma_semaphore, #tpu.memory_space<semaphore_mem>>
        %dma_start3A = arith.constant 0 : i32
        %dma_start3A_25 = tpu.memref_slice %arg6[%while3A_24, %dma_start3A] : memref<79x128xi32, #tpu.memory_space<vmem>> -> memref<1x128xi32, #tpu.memory_space<vmem>>
        %dma_start3A_26 = tpu.memref_squeeze %dma_start3A_25 : memref<1x128xi32, #tpu.memory_space<vmem>> -> memref<128xi32, #tpu.memory_space<vmem>>
        %dma_start3A_27 = arith.constant 0 : i32
        %dma_start3A_28 = arith.constant 0 : i32
        %dma_start3A_29 = tpu.memref_slice %arg9[%dma_start3A_27, %dma_start3A_28] : memref<10240x16xf32, #tpu.memory_space<vmem_shared>> -> memref<10240x16xf32, #tpu.memory_space<vmem_shared>>
        tpu.enqueue_indirect_dma source(%arg8 : memref<128x16xf32, #tpu.memory_space<vmem>>) target(%dma_start3A_29 : memref<10240x16xf32, #tpu.memory_space<vmem_shared>>) offsets(%dma_start3A_26 : memref<128xi32, #tpu.memory_space<vmem>>) semaphore(%run_scoped3A : memref<!tpu.dma_semaphore, #tpu.memory_space<semaphore_mem>>) {add = true}
        %dma_wait3A = arith.constant 0 : i32
        %dma_wait3A_30 = tpu.memref_slice %arg6[%while3A_24, %dma_wait3A] : memref<79x128xi32, #tpu.memory_space<vmem>> -> memref<1x128xi32, #tpu.memory_space<vmem>>
        %dma_wait3A_31 = tpu.memref_squeeze %dma_wait3A_30 : memref<1x128xi32, #tpu.memory_space<vmem>> -> memref<128xi32, #tpu.memory_space<vmem>>
        %dma_wait3A_32 = arith.constant 0 : i32
        %dma_wait3A_33 = arith.constant 0 : i32
        %dma_wait3A_34 = tpu.memref_slice %arg9[%dma_wait3A_32, %dma_wait3A_33] : memref<10240x16xf32, #tpu.memory_space<vmem_shared>> -> memref<10240x16xf32, #tpu.memory_space<vmem_shared>>
        tpu.wait_indirect_dma semaphore(%run_scoped3A : memref<!tpu.dma_semaphore, #tpu.memory_space<semaphore_mem>>) src(%arg8 : memref<128x16xf32, #tpu.memory_space<vmem>>) dst(%dma_wait3A_34 : memref<10240x16xf32, #tpu.memory_space<vmem_shared>>)
        tpu.yield
      }) : () -> ()
    }
    %while3A_16 = arith.constant 1 : i32
    scf.for %while3A_24 = %while3A_14 to %while3A_10 step %while3A_16  : i32 {
      "tpu.region"() ({
        %run_scoped3A = tpu.sem_alloc : memref<!tpu.dma_semaphore, #tpu.memory_space<semaphore_mem>>
        %dma_start3A = arith.constant 0 : i32
        %dma_start3A_25 = tpu.memref_slice %arg6[%while3A_24, %dma_start3A] : memref<79x128xi32, #tpu.memory_space<vmem>> -> memref<1x128xi32, #tpu.memory_space<vmem>>
        %dma_start3A_26 = tpu.memref_squeeze %dma_start3A_25 : memref<1x128xi32, #tpu.memory_space<vmem>> -> memref<128xi32, #tpu.memory_space<vmem>>
        %dma_start3A_27 = arith.constant 0 : i32
        %dma_start3A_28 = arith.constant 0 : i32
        %dma_start3A_29 = tpu.memref_slice %arg9[%dma_start3A_27, %dma_start3A_28] : memref<10240x16xf32, #tpu.memory_space<vmem_shared>> -> memref<10240x16xf32, #tpu.memory_space<vmem_shared>>
        tpu.enqueue_indirect_dma source(%arg8 : memref<128x16xf32, #tpu.memory_space<vmem>>) target(%dma_start3A_29 : memref<10240x16xf32, #tpu.memory_space<vmem_shared>>) offsets(%dma_start3A_26 : memref<128xi32, #tpu.memory_space<vmem>>) semaphore(%run_scoped3A : memref<!tpu.dma_semaphore, #tpu.memory_space<semaphore_mem>>) {add = true}
        %dma_wait3A = arith.constant 0 : i32
        %dma_wait3A_30 = tpu.memref_slice %arg6[%while3A_24, %dma_wait3A] : memref<79x128xi32, #tpu.memory_space<vmem>> -> memref<1x128xi32, #tpu.memory_space<vmem>>
        %dma_wait3A_31 = tpu.memref_squeeze %dma_wait3A_30 : memref<1x128xi32, #tpu.memory_space<vmem>> -> memref<128xi32, #tpu.memory_space<vmem>>
        %dma_wait3A_32 = arith.constant 0 : i32
        %dma_wait3A_33 = arith.constant 0 : i32
        %dma_wait3A_34 = tpu.memref_slice %arg9[%dma_wait3A_32, %dma_wait3A_33] : memref<10240x16xf32, #tpu.memory_space<vmem_shared>> -> memref<10240x16xf32, #tpu.memory_space<vmem_shared>>
        tpu.wait_indirect_dma semaphore(%run_scoped3A : memref<!tpu.dma_semaphore, #tpu.memory_space<semaphore_mem>>) src(%arg8 : memref<128x16xf32, #tpu.memory_space<vmem>>) dst(%dma_wait3A_34 : memref<10240x16xf32, #tpu.memory_space<vmem_shared>>)
        tpu.yield
      }) : () -> ()
    }
    %barrier3A_17 = arith.constant 0 : index
    tpu.barrier barrier_id(%barrier3A_17)
    %scan3A_18 = arith.constant 0 : i32
    %scan3A_19 = arith.constant 0 : i32
    %scan3A_20 = arith.constant 5 : i32
    %scan3A_21 = arith.addi %scan3A_19, %scan3A_20 : i32
    %scan3A_22 = arith.constant 1 : i32
    scf.for %scan3A_24 = %scan3A_19 to %scan3A_21 step %scan3A_22  : i32 {
      %mul3A_25 = arith.constant 640 : i32
      %mul3A_26 = arith.muli %arg1, %mul3A_25 : i32
      %mul3A_27 = arith.constant 128 : i32
      %mul3A_28 = arith.muli %scan3A_24, %mul3A_27 : i32
      %add3A_29 = arith.addi %mul3A_26, %mul3A_28 : i32
      "tpu.region"() ({
        %run_scoped3A = tpu.sem_alloc : memref<!tpu.dma_semaphore, #tpu.memory_space<semaphore_mem>>
        %dma_start3A = arith.constant 0 : i32
        %dma_start3A_35 = tpu.memref_slice %arg9[%add3A_29, %dma_start3A] : memref<10240x16xf32, #tpu.memory_space<vmem_shared>> -> memref<128x16xf32, #tpu.memory_space<vmem_shared>>
        %dma_start3A_36 = arith.constant 0 : i32
        %dma_start3A_37 = tpu.memref_slice %arg9[%add3A_29, %dma_start3A_36] : memref<10240x16xf32, #tpu.memory_space<vmem_shared>> -> memref<128x16xf32, #tpu.memory_space<vmem_shared>>
        tpu.enqueue_dma source(%dma_start3A_37 : memref<128x16xf32, #tpu.memory_space<vmem_shared>>) target(%arg7 : memref<128x16xf32, #tpu.memory_space<vmem>>) target_semaphore(%run_scoped3A : memref<!tpu.dma_semaphore, #tpu.memory_space<semaphore_mem>>)
        %dma_wait3A = arith.constant 0 : i32
        %dma_wait3A_38 = tpu.memref_slice %arg9[%add3A_29, %dma_wait3A] : memref<10240x16xf32, #tpu.memory_space<vmem_shared>> -> memref<128x16xf32, #tpu.memory_space<vmem_shared>>
        %dma_wait3A_39 = arith.constant 0 : i32
        %dma_wait3A_40 = tpu.memref_slice %arg9[%add3A_29, %dma_wait3A_39] : memref<10240x16xf32, #tpu.memory_space<vmem_shared>> -> memref<128x16xf32, #tpu.memory_space<vmem_shared>>
        tpu.wait_dma2 semaphore(%run_scoped3A : memref<!tpu.dma_semaphore, #tpu.memory_space<semaphore_mem>>) src(%dma_wait3A_40 : memref<128x16xf32, #tpu.memory_space<vmem_shared>>) dst(%arg7 : memref<128x16xf32, #tpu.memory_space<vmem>>)
        tpu.yield
      }) : () -> ()
      %mul3A_30 = arith.constant 640 : i32
      %mul3A_31 = arith.muli %arg1, %mul3A_30 : i32
      %mul3A_32 = arith.constant 128 : i32
      %mul3A_33 = arith.muli %scan3A_24, %mul3A_32 : i32
      %add3A_34 = arith.addi %mul3A_31, %mul3A_33 : i32
      "tpu.region"() ({
        %run_scoped3A = tpu.sem_alloc : memref<!tpu.dma_semaphore, #tpu.memory_space<semaphore_mem>>
        %dma_start3A = arith.constant 0 : i32
        %dma_start3A_35 = tpu.memref_slice %arg5[%arg0, %add3A_34, %dma_start3A] : memref<2x10240x16xf32, #tpu.memory_space<hbm>> -> memref<1x128x16xf32, #tpu.memory_space<hbm>>
        %dma_start3A_36 = tpu.memref_squeeze %dma_start3A_35 : memref<1x128x16xf32, #tpu.memory_space<hbm>> -> memref<128x16xf32, #tpu.memory_space<hbm>>
        %dma_start3A_37 = arith.constant 0 : i32
        %dma_start3A_38 = tpu.memref_slice %arg5[%arg0, %add3A_34, %dma_start3A_37] : memref<2x10240x16xf32, #tpu.memory_space<hbm>> -> memref<1x128x16xf32, #tpu.memory_space<hbm>>
        %dma_start3A_39 = tpu.memref_squeeze %dma_start3A_38 : memref<1x128x16xf32, #tpu.memory_space<hbm>> -> memref<128x16xf32, #tpu.memory_space<hbm>>
        tpu.enqueue_dma source(%arg7 : memref<128x16xf32, #tpu.memory_space<vmem>>) target(%dma_start3A_39 : memref<128x16xf32, #tpu.memory_space<hbm>>) target_semaphore(%run_scoped3A : memref<!tpu.dma_semaphore, #tpu.memory_space<semaphore_mem>>)
        %dma_wait3A = arith.constant 0 : i32
        %dma_wait3A_40 = tpu.memref_slice %arg5[%arg0, %add3A_34, %dma_wait3A] : memref<2x10240x16xf32, #tpu.memory_space<hbm>> -> memref<1x128x16xf32, #tpu.memory_space<hbm>>
        %dma_wait3A_41 = tpu.memref_squeeze %dma_wait3A_40 : memref<1x128x16xf32, #tpu.memory_space<hbm>> -> memref<128x16xf32, #tpu.memory_space<hbm>>
        %dma_wait3A_42 = arith.constant 0 : i32
        %dma_wait3A_43 = tpu.memref_slice %arg5[%arg0, %add3A_34, %dma_wait3A_42] : memref<2x10240x16xf32, #tpu.memory_space<hbm>> -> memref<1x128x16xf32, #tpu.memory_space<hbm>>
        %dma_wait3A_44 = tpu.memref_squeeze %dma_wait3A_43 : memref<1x128x16xf32, #tpu.memory_space<hbm>> -> memref<128x16xf32, #tpu.memory_space<hbm>>
        tpu.wait_dma2 semaphore(%run_scoped3A : memref<!tpu.dma_semaphore, #tpu.memory_space<semaphore_mem>>) src(%arg7 : memref<128x16xf32, #tpu.memory_space<vmem>>) dst(%dma_wait3A_44 : memref<128x16xf32, #tpu.memory_space<hbm>>)
        tpu.yield
      }) : () -> ()
    }
    %scan3A_23 = arith.constant 5 : i32
    return
  }
}

#map = affine_map<(d0, d1) -> (0, 0)>
#map1 = affine_map<(d0, d1) -> (0, 0, 0)>
module attributes {stable_mosaic.version = 14 : i64} {
  func.func @body(%arg0: i32, %arg1: i32, %arg2: memref<10240x64xf32, #tpu.memory_space<hbm>>, %arg3: memref<32x79x128xi32, #tpu.memory_space<hbm>>, %arg4: memref<32x79x128xi32, #tpu.memory_space<hbm>>, %arg5: memref<128x64xf32, #tpu.memory_space<hbm>>, %arg6: memref<2x10240x64xf32, #tpu.memory_space<hbm>>, %arg7: memref<79x128xi32, #tpu.memory_space<vmem>>, %arg8: memref<79x128xi32, #tpu.memory_space<vmem>>, %arg9: memref<128x64xf32, #tpu.memory_space<vmem>>, %arg10: memref<10240x64xf32, #tpu.memory_space<vmem_shared>>, %arg11: memref<10240x64xf32, #tpu.memory_space<vmem_shared>>, %arg12: memref<!tpu.dma_semaphore, #tpu.memory_space<semaphore_mem>>) attributes {dimension_semantics = [#tpu.dimension_semantics<core_parallel>, #tpu.dimension_semantics<subcore_parallel>], iteration_bounds = array<i64: 2, 16>, scalar_prefetch = 0 : i64, scratch_operands = 6 : i64, tpu.core_type = #tpu.core_type<sc_vector_subcore>, window_params = [{transform_indices = #map}, {transform_indices = #map1}, {transform_indices = #map1}, {transform_indices = #map}, {transform_indices = #map1}]} {
    %mul3A = arith.constant 2 : i32
    %mul3A_0 = arith.muli %arg1, %mul3A : i32
    %add3A = arith.addi %mul3A_0, %arg0 : i32
    "tpu.region"() ({
      %run_scoped3A = tpu.sem_alloc : memref<!tpu.dma_semaphore, #tpu.memory_space<semaphore_mem>>
      tpu.enqueue_dma source(%arg5 : memref<128x64xf32, #tpu.memory_space<hbm>>) target(%arg9 : memref<128x64xf32, #tpu.memory_space<vmem>>) target_semaphore(%run_scoped3A : memref<!tpu.dma_semaphore, #tpu.memory_space<semaphore_mem>>)
      tpu.wait_dma2 semaphore(%run_scoped3A : memref<!tpu.dma_semaphore, #tpu.memory_space<semaphore_mem>>) src(%arg5 : memref<128x64xf32, #tpu.memory_space<hbm>>) dst(%arg9 : memref<128x64xf32, #tpu.memory_space<vmem>>)
      tpu.yield
    }) : () -> ()
    %scan3A = arith.constant 0 : i32
    %scan3A_1 = arith.constant 0 : i32
    %scan3A_2 = arith.constant 5 : i32
    %scan3A_3 = arith.addi %scan3A_1, %scan3A_2 : i32
    %scan3A_4 = arith.constant 1 : i32
    scf.for %scan3A_28 = %scan3A_1 to %scan3A_3 step %scan3A_4  : i32 {
      %mul3A_29 = arith.constant 640 : i32
      %mul3A_30 = arith.muli %arg1, %mul3A_29 : i32
      %mul3A_31 = arith.constant 128 : i32
      %mul3A_32 = arith.muli %scan3A_28, %mul3A_31 : i32
      %add3A_33 = arith.addi %mul3A_30, %mul3A_32 : i32
      "tpu.region"() ({
        %run_scoped3A = tpu.sem_alloc : memref<!tpu.dma_semaphore, #tpu.memory_space<semaphore_mem>>
        %dma_start3A = arith.constant 0 : i32
        %dma_start3A_34 = tpu.memref_slice %arg10[%add3A_33, %dma_start3A] : memref<10240x64xf32, #tpu.memory_space<vmem_shared>> -> memref<128x64xf32, #tpu.memory_space<vmem_shared>>
        %dma_start3A_35 = arith.constant 0 : i32
        %dma_start3A_36 = tpu.memref_slice %arg10[%add3A_33, %dma_start3A_35] : memref<10240x64xf32, #tpu.memory_space<vmem_shared>> -> memref<128x64xf32, #tpu.memory_space<vmem_shared>>
        tpu.enqueue_dma source(%arg9 : memref<128x64xf32, #tpu.memory_space<vmem>>) target(%dma_start3A_36 : memref<128x64xf32, #tpu.memory_space<vmem_shared>>) target_semaphore(%run_scoped3A : memref<!tpu.dma_semaphore, #tpu.memory_space<semaphore_mem>>)
        %dma_wait3A = arith.constant 0 : i32
        %dma_wait3A_37 = tpu.memref_slice %arg10[%add3A_33, %dma_wait3A] : memref<10240x64xf32, #tpu.memory_space<vmem_shared>> -> memref<128x64xf32, #tpu.memory_space<vmem_shared>>
        %dma_wait3A_38 = arith.constant 0 : i32
        %dma_wait3A_39 = tpu.memref_slice %arg10[%add3A_33, %dma_wait3A_38] : memref<10240x64xf32, #tpu.memory_space<vmem_shared>> -> memref<128x64xf32, #tpu.memory_space<vmem_shared>>
        tpu.wait_dma2 semaphore(%run_scoped3A : memref<!tpu.dma_semaphore, #tpu.memory_space<semaphore_mem>>) src(%arg9 : memref<128x64xf32, #tpu.memory_space<vmem>>) dst(%dma_wait3A_39 : memref<128x64xf32, #tpu.memory_space<vmem_shared>>)
        tpu.yield
      }) : () -> ()
    }
    %scan3A_5 = arith.constant 5 : i32
    "tpu.region"() ({
      %run_scoped3A = tpu.sem_alloc : memref<!tpu.dma_semaphore, #tpu.memory_space<semaphore_mem>>
      %dma_start3A = arith.constant 0 : i32
      %dma_start3A_28 = arith.constant 0 : i32
      %dma_start3A_29 = tpu.memref_slice %arg3[%add3A, %dma_start3A, %dma_start3A_28] : memref<32x79x128xi32, #tpu.memory_space<hbm>> -> memref<1x79x128xi32, #tpu.memory_space<hbm>>
      %dma_start3A_30 = tpu.memref_squeeze %dma_start3A_29 : memref<1x79x128xi32, #tpu.memory_space<hbm>> -> memref<79x128xi32, #tpu.memory_space<hbm>>
      %dma_start3A_31 = arith.constant 0 : i32
      %dma_start3A_32 = arith.constant 0 : i32
      %dma_start3A_33 = tpu.memref_slice %arg3[%add3A, %dma_start3A_31, %dma_start3A_32] : memref<32x79x128xi32, #tpu.memory_space<hbm>> -> memref<1x79x128xi32, #tpu.memory_space<hbm>>
      %dma_start3A_34 = tpu.memref_squeeze %dma_start3A_33 : memref<1x79x128xi32, #tpu.memory_space<hbm>> -> memref<79x128xi32, #tpu.memory_space<hbm>>
      tpu.enqueue_dma source(%dma_start3A_34 : memref<79x128xi32, #tpu.memory_space<hbm>>) target(%arg7 : memref<79x128xi32, #tpu.memory_space<vmem>>) target_semaphore(%run_scoped3A : memref<!tpu.dma_semaphore, #tpu.memory_space<semaphore_mem>>)
      %dma_wait3A = arith.constant 0 : i32
      %dma_wait3A_35 = arith.constant 0 : i32
      %dma_wait3A_36 = tpu.memref_slice %arg3[%add3A, %dma_wait3A, %dma_wait3A_35] : memref<32x79x128xi32, #tpu.memory_space<hbm>> -> memref<1x79x128xi32, #tpu.memory_space<hbm>>
      %dma_wait3A_37 = tpu.memref_squeeze %dma_wait3A_36 : memref<1x79x128xi32, #tpu.memory_space<hbm>> -> memref<79x128xi32, #tpu.memory_space<hbm>>
      %dma_wait3A_38 = arith.constant 0 : i32
      %dma_wait3A_39 = arith.constant 0 : i32
      %dma_wait3A_40 = tpu.memref_slice %arg3[%add3A, %dma_wait3A_38, %dma_wait3A_39] : memref<32x79x128xi32, #tpu.memory_space<hbm>> -> memref<1x79x128xi32, #tpu.memory_space<hbm>>
      %dma_wait3A_41 = tpu.memref_squeeze %dma_wait3A_40 : memref<1x79x128xi32, #tpu.memory_space<hbm>> -> memref<79x128xi32, #tpu.memory_space<hbm>>
      tpu.wait_dma2 semaphore(%run_scoped3A : memref<!tpu.dma_semaphore, #tpu.memory_space<semaphore_mem>>) src(%dma_wait3A_41 : memref<79x128xi32, #tpu.memory_space<hbm>>) dst(%arg7 : memref<79x128xi32, #tpu.memory_space<vmem>>)
      tpu.yield
    }) : () -> ()
    "tpu.region"() ({
      %run_scoped3A = tpu.sem_alloc : memref<!tpu.dma_semaphore, #tpu.memory_space<semaphore_mem>>
      %dma_start3A = arith.constant 0 : i32
      %dma_start3A_28 = arith.constant 0 : i32
      %dma_start3A_29 = tpu.memref_slice %arg4[%add3A, %dma_start3A, %dma_start3A_28] : memref<32x79x128xi32, #tpu.memory_space<hbm>> -> memref<1x79x128xi32, #tpu.memory_space<hbm>>
      %dma_start3A_30 = tpu.memref_squeeze %dma_start3A_29 : memref<1x79x128xi32, #tpu.memory_space<hbm>> -> memref<79x128xi32, #tpu.memory_space<hbm>>
      %dma_start3A_31 = arith.constant 0 : i32
      %dma_start3A_32 = arith.constant 0 : i32
      %dma_start3A_33 = tpu.memref_slice %arg4[%add3A, %dma_start3A_31, %dma_start3A_32] : memref<32x79x128xi32, #tpu.memory_space<hbm>> -> memref<1x79x128xi32, #tpu.memory_space<hbm>>
      %dma_start3A_34 = tpu.memref_squeeze %dma_start3A_33 : memref<1x79x128xi32, #tpu.memory_space<hbm>> -> memref<79x128xi32, #tpu.memory_space<hbm>>
      tpu.enqueue_dma source(%dma_start3A_34 : memref<79x128xi32, #tpu.memory_space<hbm>>) target(%arg8 : memref<79x128xi32, #tpu.memory_space<vmem>>) target_semaphore(%run_scoped3A : memref<!tpu.dma_semaphore, #tpu.memory_space<semaphore_mem>>)
      %dma_wait3A = arith.constant 0 : i32
      %dma_wait3A_35 = arith.constant 0 : i32
      %dma_wait3A_36 = tpu.memref_slice %arg4[%add3A, %dma_wait3A, %dma_wait3A_35] : memref<32x79x128xi32, #tpu.memory_space<hbm>> -> memref<1x79x128xi32, #tpu.memory_space<hbm>>
      %dma_wait3A_37 = tpu.memref_squeeze %dma_wait3A_36 : memref<1x79x128xi32, #tpu.memory_space<hbm>> -> memref<79x128xi32, #tpu.memory_space<hbm>>
      %dma_wait3A_38 = arith.constant 0 : i32
      %dma_wait3A_39 = arith.constant 0 : i32
      %dma_wait3A_40 = tpu.memref_slice %arg4[%add3A, %dma_wait3A_38, %dma_wait3A_39] : memref<32x79x128xi32, #tpu.memory_space<hbm>> -> memref<1x79x128xi32, #tpu.memory_space<hbm>>
      %dma_wait3A_41 = tpu.memref_squeeze %dma_wait3A_40 : memref<1x79x128xi32, #tpu.memory_space<hbm>> -> memref<79x128xi32, #tpu.memory_space<hbm>>
      tpu.wait_dma2 semaphore(%run_scoped3A : memref<!tpu.dma_semaphore, #tpu.memory_space<semaphore_mem>>) src(%dma_wait3A_41 : memref<79x128xi32, #tpu.memory_space<hbm>>) dst(%arg8 : memref<79x128xi32, #tpu.memory_space<vmem>>)
      tpu.yield
    }) : () -> ()
    %mul3A_6 = arith.constant 640 : i32
    %mul3A_7 = arith.muli %arg1, %mul3A_6 : i32
    %mul3A_8 = arith.constant 640 : i32
    %mul3A_9 = arith.muli %arg1, %mul3A_8 : i32
    "tpu.region"() ({
      %run_scoped3A = tpu.sem_alloc : memref<!tpu.dma_semaphore, #tpu.memory_space<semaphore_mem>>
      %dma_start3A = arith.constant 0 : i32
      %dma_start3A_28 = tpu.memref_slice %arg11[%mul3A_9, %dma_start3A] : memref<10240x64xf32, #tpu.memory_space<vmem_shared>> -> memref<640x64xf32, #tpu.memory_space<vmem_shared>>
      %dma_start3A_29 = arith.constant 0 : i32
      %dma_start3A_30 = tpu.memref_slice %arg2[%mul3A_7, %dma_start3A_29] : memref<10240x64xf32, #tpu.memory_space<hbm>> -> memref<640x64xf32, #tpu.memory_space<hbm>>
      tpu.enqueue_dma source(%dma_start3A_30 : memref<640x64xf32, #tpu.memory_space<hbm>>) target(%dma_start3A_28 : memref<640x64xf32, #tpu.memory_space<vmem_shared>>) target_semaphore(%run_scoped3A : memref<!tpu.dma_semaphore, #tpu.memory_space<semaphore_mem>>)
      %dma_wait3A = arith.constant 0 : i32
      %dma_wait3A_31 = tpu.memref_slice %arg11[%mul3A_9, %dma_wait3A] : memref<10240x64xf32, #tpu.memory_space<vmem_shared>> -> memref<640x64xf32, #tpu.memory_space<vmem_shared>>
      %dma_wait3A_32 = arith.constant 0 : i32
      %dma_wait3A_33 = tpu.memref_slice %arg2[%mul3A_7, %dma_wait3A_32] : memref<10240x64xf32, #tpu.memory_space<hbm>> -> memref<640x64xf32, #tpu.memory_space<hbm>>
      tpu.wait_dma2 semaphore(%run_scoped3A : memref<!tpu.dma_semaphore, #tpu.memory_space<semaphore_mem>>) src(%dma_wait3A_33 : memref<640x64xf32, #tpu.memory_space<hbm>>) dst(%dma_wait3A_31 : memref<640x64xf32, #tpu.memory_space<vmem_shared>>)
      tpu.yield
    }) : () -> ()
    %barrier3A = arith.constant 0 : index
    tpu.barrier barrier_id(%barrier3A)
    %eq3A = arith.constant 0 : i32
    %eq3A_10 = arith.cmpi eq, %arg0, %eq3A : i32
    %jit3A = arith.constant 79 : i32
    %jit3A_11 = arith.constant 79 : i32
    %select_n3A = arith.select %eq3A_10, %jit3A, %jit3A_11 : i32
    %while3A = arith.constant 0 : i32
    %while3A_12 = arith.constant 0 : i32
    %while3A_13 = arith.subi %select_n3A, %while3A_12 : i32
    %while3A_14 = arith.addi %while3A_12, %while3A_13 : i32
    %while3A_15 = arith.constant 1 : i32
    %while3A_16 = arith.divsi %while3A_13, %while3A_15 : i32
    %while3A_17 = arith.muli %while3A_16, %while3A_15 : i32
    %while3A_18 = arith.addi %while3A_12, %while3A_17 : i32
    %while3A_19 = arith.constant 1 : i32
    scf.for %while3A_28 = %while3A_12 to %while3A_18 step %while3A_19  : i32 {
      %dma_start3A = arith.constant 0 : i32
      %dma_start3A_29 = tpu.memref_slice %arg7[%while3A_28, %dma_start3A] : memref<79x128xi32, #tpu.memory_space<vmem>> -> memref<1x128xi32, #tpu.memory_space<vmem>>
      %dma_start3A_30 = tpu.memref_squeeze %dma_start3A_29 : memref<1x128xi32, #tpu.memory_space<vmem>> -> memref<128xi32, #tpu.memory_space<vmem>>
      %dma_start3A_31 = arith.constant 0 : i32
      %dma_start3A_32 = arith.constant 0 : i32
      %dma_start3A_33 = tpu.memref_slice %arg11[%dma_start3A_31, %dma_start3A_32] : memref<10240x64xf32, #tpu.memory_space<vmem_shared>> -> memref<10240x64xf32, #tpu.memory_space<vmem_shared>>
      tpu.enqueue_indirect_dma source(%dma_start3A_33 : memref<10240x64xf32, #tpu.memory_space<vmem_shared>>) target(%arg9 : memref<128x64xf32, #tpu.memory_space<vmem>>) offsets(%dma_start3A_30 : memref<128xi32, #tpu.memory_space<vmem>>) semaphore(%arg12 : memref<!tpu.dma_semaphore, #tpu.memory_space<semaphore_mem>>)
      %dma_wait3A = arith.constant 0 : i32
      %dma_wait3A_34 = tpu.memref_slice %arg7[%while3A_28, %dma_wait3A] : memref<79x128xi32, #tpu.memory_space<vmem>> -> memref<1x128xi32, #tpu.memory_space<vmem>>
      %dma_wait3A_35 = tpu.memref_squeeze %dma_wait3A_34 : memref<1x128xi32, #tpu.memory_space<vmem>> -> memref<128xi32, #tpu.memory_space<vmem>>
      %dma_wait3A_36 = arith.constant 0 : i32
      %dma_wait3A_37 = arith.constant 0 : i32
      %dma_wait3A_38 = tpu.memref_slice %arg11[%dma_wait3A_36, %dma_wait3A_37] : memref<10240x64xf32, #tpu.memory_space<vmem_shared>> -> memref<10240x64xf32, #tpu.memory_space<vmem_shared>>
      tpu.wait_indirect_dma semaphore(%arg12 : memref<!tpu.dma_semaphore, #tpu.memory_space<semaphore_mem>>) src(%dma_wait3A_38 : memref<10240x64xf32, #tpu.memory_space<vmem_shared>>) dst(%arg9 : memref<128x64xf32, #tpu.memory_space<vmem>>)
      "tpu.region"() ({
        %run_scoped3A = tpu.sem_alloc : memref<!tpu.dma_semaphore, #tpu.memory_space<semaphore_mem>>
        %dma_start3A_39 = arith.constant 0 : i32
        %dma_start3A_40 = tpu.memref_slice %arg8[%while3A_28, %dma_start3A_39] : memref<79x128xi32, #tpu.memory_space<vmem>> -> memref<1x128xi32, #tpu.memory_space<vmem>>
        %dma_start3A_41 = tpu.memref_squeeze %dma_start3A_40 : memref<1x128xi32, #tpu.memory_space<vmem>> -> memref<128xi32, #tpu.memory_space<vmem>>
        %dma_start3A_42 = arith.constant 0 : i32
        %dma_start3A_43 = arith.constant 0 : i32
        %dma_start3A_44 = tpu.memref_slice %arg10[%dma_start3A_42, %dma_start3A_43] : memref<10240x64xf32, #tpu.memory_space<vmem_shared>> -> memref<10240x64xf32, #tpu.memory_space<vmem_shared>>
        tpu.enqueue_indirect_dma source(%arg9 : memref<128x64xf32, #tpu.memory_space<vmem>>) target(%dma_start3A_44 : memref<10240x64xf32, #tpu.memory_space<vmem_shared>>) offsets(%dma_start3A_41 : memref<128xi32, #tpu.memory_space<vmem>>) semaphore(%run_scoped3A : memref<!tpu.dma_semaphore, #tpu.memory_space<semaphore_mem>>) {add = true}
        %dma_wait3A_45 = arith.constant 0 : i32
        %dma_wait3A_46 = tpu.memref_slice %arg8[%while3A_28, %dma_wait3A_45] : memref<79x128xi32, #tpu.memory_space<vmem>> -> memref<1x128xi32, #tpu.memory_space<vmem>>
        %dma_wait3A_47 = tpu.memref_squeeze %dma_wait3A_46 : memref<1x128xi32, #tpu.memory_space<vmem>> -> memref<128xi32, #tpu.memory_space<vmem>>
        %dma_wait3A_48 = arith.constant 0 : i32
        %dma_wait3A_49 = arith.constant 0 : i32
        %dma_wait3A_50 = tpu.memref_slice %arg10[%dma_wait3A_48, %dma_wait3A_49] : memref<10240x64xf32, #tpu.memory_space<vmem_shared>> -> memref<10240x64xf32, #tpu.memory_space<vmem_shared>>
        tpu.wait_indirect_dma semaphore(%run_scoped3A : memref<!tpu.dma_semaphore, #tpu.memory_space<semaphore_mem>>) src(%arg9 : memref<128x64xf32, #tpu.memory_space<vmem>>) dst(%dma_wait3A_50 : memref<10240x64xf32, #tpu.memory_space<vmem_shared>>)
        tpu.yield
      }) : () -> ()
    }
    %while3A_20 = arith.constant 1 : i32
    scf.for %while3A_28 = %while3A_18 to %while3A_14 step %while3A_20  : i32 {
      %dma_start3A = arith.constant 0 : i32
      %dma_start3A_29 = tpu.memref_slice %arg7[%while3A_28, %dma_start3A] : memref<79x128xi32, #tpu.memory_space<vmem>> -> memref<1x128xi32, #tpu.memory_space<vmem>>
      %dma_start3A_30 = tpu.memref_squeeze %dma_start3A_29 : memref<1x128xi32, #tpu.memory_space<vmem>> -> memref<128xi32, #tpu.memory_space<vmem>>
      %dma_start3A_31 = arith.constant 0 : i32
      %dma_start3A_32 = arith.constant 0 : i32
      %dma_start3A_33 = tpu.memref_slice %arg11[%dma_start3A_31, %dma_start3A_32] : memref<10240x64xf32, #tpu.memory_space<vmem_shared>> -> memref<10240x64xf32, #tpu.memory_space<vmem_shared>>
      tpu.enqueue_indirect_dma source(%dma_start3A_33 : memref<10240x64xf32, #tpu.memory_space<vmem_shared>>) target(%arg9 : memref<128x64xf32, #tpu.memory_space<vmem>>) offsets(%dma_start3A_30 : memref<128xi32, #tpu.memory_space<vmem>>) semaphore(%arg12 : memref<!tpu.dma_semaphore, #tpu.memory_space<semaphore_mem>>)
      %dma_wait3A = arith.constant 0 : i32
      %dma_wait3A_34 = tpu.memref_slice %arg7[%while3A_28, %dma_wait3A] : memref<79x128xi32, #tpu.memory_space<vmem>> -> memref<1x128xi32, #tpu.memory_space<vmem>>
      %dma_wait3A_35 = tpu.memref_squeeze %dma_wait3A_34 : memref<1x128xi32, #tpu.memory_space<vmem>> -> memref<128xi32, #tpu.memory_space<vmem>>
      %dma_wait3A_36 = arith.constant 0 : i32
      %dma_wait3A_37 = arith.constant 0 : i32
      %dma_wait3A_38 = tpu.memref_slice %arg11[%dma_wait3A_36, %dma_wait3A_37] : memref<10240x64xf32, #tpu.memory_space<vmem_shared>> -> memref<10240x64xf32, #tpu.memory_space<vmem_shared>>
      tpu.wait_indirect_dma semaphore(%arg12 : memref<!tpu.dma_semaphore, #tpu.memory_space<semaphore_mem>>) src(%dma_wait3A_38 : memref<10240x64xf32, #tpu.memory_space<vmem_shared>>) dst(%arg9 : memref<128x64xf32, #tpu.memory_space<vmem>>)
      "tpu.region"() ({
        %run_scoped3A = tpu.sem_alloc : memref<!tpu.dma_semaphore, #tpu.memory_space<semaphore_mem>>
        %dma_start3A_39 = arith.constant 0 : i32
        %dma_start3A_40 = tpu.memref_slice %arg8[%while3A_28, %dma_start3A_39] : memref<79x128xi32, #tpu.memory_space<vmem>> -> memref<1x128xi32, #tpu.memory_space<vmem>>
        %dma_start3A_41 = tpu.memref_squeeze %dma_start3A_40 : memref<1x128xi32, #tpu.memory_space<vmem>> -> memref<128xi32, #tpu.memory_space<vmem>>
        %dma_start3A_42 = arith.constant 0 : i32
        %dma_start3A_43 = arith.constant 0 : i32
        %dma_start3A_44 = tpu.memref_slice %arg10[%dma_start3A_42, %dma_start3A_43] : memref<10240x64xf32, #tpu.memory_space<vmem_shared>> -> memref<10240x64xf32, #tpu.memory_space<vmem_shared>>
        tpu.enqueue_indirect_dma source(%arg9 : memref<128x64xf32, #tpu.memory_space<vmem>>) target(%dma_start3A_44 : memref<10240x64xf32, #tpu.memory_space<vmem_shared>>) offsets(%dma_start3A_41 : memref<128xi32, #tpu.memory_space<vmem>>) semaphore(%run_scoped3A : memref<!tpu.dma_semaphore, #tpu.memory_space<semaphore_mem>>) {add = true}
        %dma_wait3A_45 = arith.constant 0 : i32
        %dma_wait3A_46 = tpu.memref_slice %arg8[%while3A_28, %dma_wait3A_45] : memref<79x128xi32, #tpu.memory_space<vmem>> -> memref<1x128xi32, #tpu.memory_space<vmem>>
        %dma_wait3A_47 = tpu.memref_squeeze %dma_wait3A_46 : memref<1x128xi32, #tpu.memory_space<vmem>> -> memref<128xi32, #tpu.memory_space<vmem>>
        %dma_wait3A_48 = arith.constant 0 : i32
        %dma_wait3A_49 = arith.constant 0 : i32
        %dma_wait3A_50 = tpu.memref_slice %arg10[%dma_wait3A_48, %dma_wait3A_49] : memref<10240x64xf32, #tpu.memory_space<vmem_shared>> -> memref<10240x64xf32, #tpu.memory_space<vmem_shared>>
        tpu.wait_indirect_dma semaphore(%run_scoped3A : memref<!tpu.dma_semaphore, #tpu.memory_space<semaphore_mem>>) src(%arg9 : memref<128x64xf32, #tpu.memory_space<vmem>>) dst(%dma_wait3A_50 : memref<10240x64xf32, #tpu.memory_space<vmem_shared>>)
        tpu.yield
      }) : () -> ()
    }
    %barrier3A_21 = arith.constant 0 : index
    tpu.barrier barrier_id(%barrier3A_21)
    %scan3A_22 = arith.constant 0 : i32
    %scan3A_23 = arith.constant 0 : i32
    %scan3A_24 = arith.constant 5 : i32
    %scan3A_25 = arith.addi %scan3A_23, %scan3A_24 : i32
    %scan3A_26 = arith.constant 1 : i32
    scf.for %scan3A_28 = %scan3A_23 to %scan3A_25 step %scan3A_26  : i32 {
      %mul3A_29 = arith.constant 640 : i32
      %mul3A_30 = arith.muli %arg1, %mul3A_29 : i32
      %mul3A_31 = arith.constant 128 : i32
      %mul3A_32 = arith.muli %scan3A_28, %mul3A_31 : i32
      %add3A_33 = arith.addi %mul3A_30, %mul3A_32 : i32
      "tpu.region"() ({
        %run_scoped3A = tpu.sem_alloc : memref<!tpu.dma_semaphore, #tpu.memory_space<semaphore_mem>>
        %dma_start3A = arith.constant 0 : i32
        %dma_start3A_39 = tpu.memref_slice %arg10[%add3A_33, %dma_start3A] : memref<10240x64xf32, #tpu.memory_space<vmem_shared>> -> memref<128x64xf32, #tpu.memory_space<vmem_shared>>
        %dma_start3A_40 = arith.constant 0 : i32
        %dma_start3A_41 = tpu.memref_slice %arg10[%add3A_33, %dma_start3A_40] : memref<10240x64xf32, #tpu.memory_space<vmem_shared>> -> memref<128x64xf32, #tpu.memory_space<vmem_shared>>
        tpu.enqueue_dma source(%dma_start3A_41 : memref<128x64xf32, #tpu.memory_space<vmem_shared>>) target(%arg9 : memref<128x64xf32, #tpu.memory_space<vmem>>) target_semaphore(%run_scoped3A : memref<!tpu.dma_semaphore, #tpu.memory_space<semaphore_mem>>)
        %dma_wait3A = arith.constant 0 : i32
        %dma_wait3A_42 = tpu.memref_slice %arg10[%add3A_33, %dma_wait3A] : memref<10240x64xf32, #tpu.memory_space<vmem_shared>> -> memref<128x64xf32, #tpu.memory_space<vmem_shared>>
        %dma_wait3A_43 = arith.constant 0 : i32
        %dma_wait3A_44 = tpu.memref_slice %arg10[%add3A_33, %dma_wait3A_43] : memref<10240x64xf32, #tpu.memory_space<vmem_shared>> -> memref<128x64xf32, #tpu.memory_space<vmem_shared>>
        tpu.wait_dma2 semaphore(%run_scoped3A : memref<!tpu.dma_semaphore, #tpu.memory_space<semaphore_mem>>) src(%dma_wait3A_44 : memref<128x64xf32, #tpu.memory_space<vmem_shared>>) dst(%arg9 : memref<128x64xf32, #tpu.memory_space<vmem>>)
        tpu.yield
      }) : () -> ()
      %mul3A_34 = arith.constant 640 : i32
      %mul3A_35 = arith.muli %arg1, %mul3A_34 : i32
      %mul3A_36 = arith.constant 128 : i32
      %mul3A_37 = arith.muli %scan3A_28, %mul3A_36 : i32
      %add3A_38 = arith.addi %mul3A_35, %mul3A_37 : i32
      "tpu.region"() ({
        %run_scoped3A = tpu.sem_alloc : memref<!tpu.dma_semaphore, #tpu.memory_space<semaphore_mem>>
        %dma_start3A = arith.constant 0 : i32
        %dma_start3A_39 = tpu.memref_slice %arg6[%arg0, %add3A_38, %dma_start3A] : memref<2x10240x64xf32, #tpu.memory_space<hbm>> -> memref<1x128x64xf32, #tpu.memory_space<hbm>>
        %dma_start3A_40 = tpu.memref_squeeze %dma_start3A_39 : memref<1x128x64xf32, #tpu.memory_space<hbm>> -> memref<128x64xf32, #tpu.memory_space<hbm>>
        %dma_start3A_41 = arith.constant 0 : i32
        %dma_start3A_42 = tpu.memref_slice %arg6[%arg0, %add3A_38, %dma_start3A_41] : memref<2x10240x64xf32, #tpu.memory_space<hbm>> -> memref<1x128x64xf32, #tpu.memory_space<hbm>>
        %dma_start3A_43 = tpu.memref_squeeze %dma_start3A_42 : memref<1x128x64xf32, #tpu.memory_space<hbm>> -> memref<128x64xf32, #tpu.memory_space<hbm>>
        tpu.enqueue_dma source(%arg9 : memref<128x64xf32, #tpu.memory_space<vmem>>) target(%dma_start3A_43 : memref<128x64xf32, #tpu.memory_space<hbm>>) target_semaphore(%run_scoped3A : memref<!tpu.dma_semaphore, #tpu.memory_space<semaphore_mem>>)
        %dma_wait3A = arith.constant 0 : i32
        %dma_wait3A_44 = tpu.memref_slice %arg6[%arg0, %add3A_38, %dma_wait3A] : memref<2x10240x64xf32, #tpu.memory_space<hbm>> -> memref<1x128x64xf32, #tpu.memory_space<hbm>>
        %dma_wait3A_45 = tpu.memref_squeeze %dma_wait3A_44 : memref<1x128x64xf32, #tpu.memory_space<hbm>> -> memref<128x64xf32, #tpu.memory_space<hbm>>
        %dma_wait3A_46 = arith.constant 0 : i32
        %dma_wait3A_47 = tpu.memref_slice %arg6[%arg0, %add3A_38, %dma_wait3A_46] : memref<2x10240x64xf32, #tpu.memory_space<hbm>> -> memref<1x128x64xf32, #tpu.memory_space<hbm>>
        %dma_wait3A_48 = tpu.memref_squeeze %dma_wait3A_47 : memref<1x128x64xf32, #tpu.memory_space<hbm>> -> memref<128x64xf32, #tpu.memory_space<hbm>>
        tpu.wait_dma2 semaphore(%run_scoped3A : memref<!tpu.dma_semaphore, #tpu.memory_space<semaphore_mem>>) src(%arg9 : memref<128x64xf32, #tpu.memory_space<vmem>>) dst(%dma_wait3A_48 : memref<128x64xf32, #tpu.memory_space<hbm>>)
        tpu.yield
      }) : () -> ()
    }
    %scan3A_27 = arith.constant 5 : i32
    return
  }
}

module attributes {stable_mosaic.version = 14 : i64} {
  func.func @body(%arg0: i32, %arg1: memref<1000x128xf32, #tpu.memory_space<vmem>>, %arg2: memref<128x64xf32, #tpu.memory_space<vmem>>, %arg3: memref<2x1000x16xf32, #tpu.memory_space<vmem>>, %arg4: memref<1000x64xf32, #tpu.memory_space<vmem>>) attributes {dimension_semantics = [#tpu.dimension_semantics<arbitrary>], iteration_bounds = array<i64: 10>, scalar_prefetch = 0 : i64, scratch_operands = 0 : i64, tpu.core_type = #tpu.core_type<tc>, window_params = [{transform_indices = @transform_0, window_bounds = array<i64: 1000, 128>}, {pipeline_mode = #tpu.pipeline_mode<synchronous>, transform_indices = @transform_1, window_bounds = array<i64: 128, 64>}, {transform_indices = @transform_2, window_bounds = array<i64: 2, 1000, 16>}, {transform_indices = @transform_3, window_bounds = array<i64: 1000, 64>}]} {
    %get3A = arith.constant 0 : index
    %get3A_0 = arith.constant 0 : index
    %get3A_1 = vector.load %arg1[%get3A, %get3A_0] : memref<1000x128xf32, #tpu.memory_space<vmem>>, vector<1000x128xf32>
    %get3A_2 = arith.constant 0 : index
    %get3A_3 = arith.constant 0 : index
    %get3A_4 = vector.load %arg2[%get3A_2, %get3A_3] : memref<128x64xf32, #tpu.memory_space<vmem>>, vector<128x64xf32>
    %dot_general3A = arith.constant dense<0.000000e+00> : vector<1000x64xf32>
    %dot_general3A_5 = tpu.matmul %get3A_1, %get3A_4, %dot_general3A {dimension_numbers = #tpu.dot_dimension_numbers<[1], [0], [0], [1], [0, 0, 1, 1], [], []>, transpose_lhs_hint = false} : vector<1000x128xf32>, vector<128x64xf32>, vector<1000x64xf32> -> vector<1000x64xf32>
    %get3A_6 = arith.constant 0 : index
    %get3A_7 = arith.constant 0 : index
    %get3A_8 = arith.constant 0 : index
    %get3A_9 = vector.load %arg3[%get3A_6, %get3A_7, %get3A_8] : memref<2x1000x16xf32, #tpu.memory_space<vmem>>, vector<1x1000x1xf32>
    %get3A_10 = vector.shape_cast %get3A_9 : vector<1x1000x1xf32> to vector<1000x1xf32>
    %get3A_11 = arith.constant 1 : index
    %get3A_12 = arith.constant 0 : index
    %get3A_13 = arith.constant 0 : index
    %get3A_14 = vector.load %arg3[%get3A_11, %get3A_12, %get3A_13] : memref<2x1000x16xf32, #tpu.memory_space<vmem>>, vector<1x1000x1xf32>
    %get3A_15 = vector.shape_cast %get3A_14 : vector<1x1000x1xf32> to vector<1000x1xf32>
    %add3A = arith.addf %get3A_10, %get3A_15 : vector<1000x1xf32>
    %add3A_16 = arith.constant 1.000000e+00 : f32
    %add3A_17 = vector.broadcast %add3A_16 : f32 to vector<1000x1xf32>
    %add3A_18 = arith.addf %add3A, %add3A_17 : vector<1000x1xf32>
    %rsqrt3A = math.rsqrt %add3A_18 : vector<1000x1xf32>
    %mul3A = vector.broadcast %rsqrt3A : vector<1000x1xf32> to vector<1000x64xf32>
    %mul3A_19 = arith.mulf %dot_general3A_5, %mul3A : vector<1000x64xf32>
    %swap3A = arith.constant 0 : index
    %swap3A_20 = arith.constant 0 : index
    %swap3A_21 = vector.load %arg4[%swap3A, %swap3A_20] : memref<1000x64xf32, #tpu.memory_space<vmem>>, vector<1000x64xf32>
    tpu.vector_store %arg4[%swap3A, %swap3A_20], %mul3A_19 {strides = array<i32>} : memref<1000x64xf32, #tpu.memory_space<vmem>>, vector<1000x64xf32>,
    return
  }
  func.func @transform_0(%arg0: i32) -> (i32, i32) {
    %c0_i32 = arith.constant 0 : i32
    %c0_i32_0 = arith.constant 0 : i32
    return %arg0, %c0_i32 : i32, i32
  }
  func.func @transform_1(%arg0: i32) -> (i32, i32) {
    %c0_i32 = arith.constant 0 : i32
    %c0_i32_0 = arith.constant 0 : i32
    %c0_i32_1 = arith.constant 0 : i32
    return %c0_i32, %c0_i32_0 : i32, i32
  }
  func.func @transform_2(%arg0: i32) -> (i32, i32, i32) {
    %c0_i32 = arith.constant 0 : i32
    %c0_i32_0 = arith.constant 0 : i32
    %c0_i32_1 = arith.constant 0 : i32
    return %c0_i32, %arg0, %c0_i32_0 : i32, i32, i32
  }
  func.func @transform_3(%arg0: i32) -> (i32, i32) {
    %c0_i32 = arith.constant 0 : i32
    %c0_i32_0 = arith.constant 0 : i32
    return %arg0, %c0_i32 : i32, i32
  }
}

module attributes {stable_mosaic.version = 14 : i64} {
  func.func @body(%arg0: i32, %arg1: memref<1000x64xf32, #tpu.memory_space<vmem>>, %arg2: memref<2x1000x64xf32, #tpu.memory_space<vmem>>, %arg3: memref<2x1000x16xf32, #tpu.memory_space<vmem>>, %arg4: memref<1x64xf32, #tpu.memory_space<vmem>>, %arg5: memref<64x128xf32, #tpu.memory_space<vmem>>, %arg6: memref<1000x128xf32, #tpu.memory_space<vmem>>) attributes {dimension_semantics = [#tpu.dimension_semantics<arbitrary>], iteration_bounds = array<i64: 10>, scalar_prefetch = 0 : i64, scratch_operands = 0 : i64, tpu.core_type = #tpu.core_type<tc>, window_params = [{transform_indices = @transform_0, window_bounds = array<i64: 1000, 64>}, {transform_indices = @transform_1, window_bounds = array<i64: 2, 1000, 64>}, {transform_indices = @transform_2, window_bounds = array<i64: 2, 1000, 16>}, {pipeline_mode = #tpu.pipeline_mode<synchronous>, transform_indices = @transform_3, window_bounds = array<i64: 1, 64>}, {pipeline_mode = #tpu.pipeline_mode<synchronous>, transform_indices = @transform_4, window_bounds = array<i64: 64, 128>}, {transform_indices = @transform_5, window_bounds = array<i64: 1000, 128>}]} {
    %get3A = arith.constant 0 : index
    %get3A_0 = arith.constant 0 : index
    %get3A_1 = arith.constant 0 : index
    %get3A_2 = vector.load %arg3[%get3A, %get3A_0, %get3A_1] : memref<2x1000x16xf32, #tpu.memory_space<vmem>>, vector<1x1000x1xf32>
    %get3A_3 = vector.shape_cast %get3A_2 : vector<1x1000x1xf32> to vector<1000x1xf32>
    %get3A_4 = arith.constant 1 : index
    %get3A_5 = arith.constant 0 : index
    %get3A_6 = arith.constant 0 : index
    %get3A_7 = vector.load %arg3[%get3A_4, %get3A_5, %get3A_6] : memref<2x1000x16xf32, #tpu.memory_space<vmem>>, vector<1x1000x1xf32>
    %get3A_8 = vector.shape_cast %get3A_7 : vector<1x1000x1xf32> to vector<1000x1xf32>
    %add3A = arith.addf %get3A_3, %get3A_8 : vector<1000x1xf32>
    %add3A_9 = arith.constant 1.000000e+00 : f32
    %add3A_10 = vector.broadcast %add3A_9 : f32 to vector<1000x1xf32>
    %add3A_11 = arith.addf %add3A, %add3A_10 : vector<1000x1xf32>
    %rsqrt3A = math.rsqrt %add3A_11 : vector<1000x1xf32>
    %get3A_12 = arith.constant 0 : index
    %get3A_13 = arith.constant 0 : index
    %get3A_14 = vector.load %arg1[%get3A_12, %get3A_13] : memref<1000x64xf32, #tpu.memory_space<vmem>>, vector<1000x64xf32>
    %get3A_15 = arith.constant 0 : index
    %get3A_16 = arith.constant 0 : index
    %get3A_17 = arith.constant 0 : index
    %get3A_18 = vector.load %arg2[%get3A_15, %get3A_16, %get3A_17] : memref<2x1000x64xf32, #tpu.memory_space<vmem>>, vector<1x1000x64xf32>
    %get3A_19 = vector.shape_cast %get3A_18 : vector<1x1000x64xf32> to vector<1000x64xf32>
    %add3A_20 = arith.addf %get3A_14, %get3A_19 : vector<1000x64xf32>
    %get3A_21 = arith.constant 1 : index
    %get3A_22 = arith.constant 0 : index
    %get3A_23 = arith.constant 0 : index
    %get3A_24 = vector.load %arg2[%get3A_21, %get3A_22, %get3A_23] : memref<2x1000x64xf32, #tpu.memory_space<vmem>>, vector<1x1000x64xf32>
    %get3A_25 = vector.shape_cast %get3A_24 : vector<1x1000x64xf32> to vector<1000x64xf32>
    %add3A_26 = arith.addf %add3A_20, %get3A_25 : vector<1000x64xf32>
    %mul3A = vector.broadcast %rsqrt3A : vector<1000x1xf32> to vector<1000x64xf32>
    %mul3A_27 = arith.mulf %add3A_26, %mul3A : vector<1000x64xf32>
    %get3A_28 = arith.constant 0 : index
    %get3A_29 = arith.constant 0 : index
    %get3A_30 = vector.load %arg4[%get3A_28, %get3A_29] : memref<1x64xf32, #tpu.memory_space<vmem>>, vector<1x64xf32>
    %add3A_31 = vector.broadcast %get3A_30 : vector<1x64xf32> to vector<1000x64xf32>
    %add3A_32 = arith.addf %mul3A_27, %add3A_31 : vector<1000x64xf32>
    %tanh3A = math.tanh %add3A_32 : vector<1000x64xf32>
    %get3A_33 = arith.constant 0 : index
    %get3A_34 = arith.constant 0 : index
    %get3A_35 = vector.load %arg5[%get3A_33, %get3A_34] : memref<64x128xf32, #tpu.memory_space<vmem>>, vector<64x128xf32>
    %dot_general3A = arith.constant dense<0.000000e+00> : vector<1000x128xf32>
    %dot_general3A_36 = tpu.matmul %tanh3A, %get3A_35, %dot_general3A {dimension_numbers = #tpu.dot_dimension_numbers<[1], [0], [0], [1], [0, 0, 1, 1], [], []>, transpose_lhs_hint = false} : vector<1000x64xf32>, vector<64x128xf32>, vector<1000x128xf32> -> vector<1000x128xf32>
    %mul3A_37 = vector.broadcast %rsqrt3A : vector<1000x1xf32> to vector<1000x128xf32>
    %mul3A_38 = arith.mulf %dot_general3A_36, %mul3A_37 : vector<1000x128xf32>
    %swap3A = arith.constant 0 : index
    %swap3A_39 = arith.constant 0 : index
    %swap3A_40 = vector.load %arg6[%swap3A, %swap3A_39] : memref<1000x128xf32, #tpu.memory_space<vmem>>, vector<1000x128xf32>
    tpu.vector_store %arg6[%swap3A, %swap3A_39], %mul3A_38 {strides = array<i32>} : memref<1000x128xf32, #tpu.memory_space<vmem>>, vector<1000x128xf32>,
    return
  }
  func.func @transform_0(%arg0: i32) -> (i32, i32) {
    %c0_i32 = arith.constant 0 : i32
    %c0_i32_0 = arith.constant 0 : i32
    return %arg0, %c0_i32 : i32, i32
  }
  func.func @transform_1(%arg0: i32) -> (i32, i32, i32) {
    %c0_i32 = arith.constant 0 : i32
    %c0_i32_0 = arith.constant 0 : i32
    %c0_i32_1 = arith.constant 0 : i32
    return %c0_i32, %arg0, %c0_i32_0 : i32, i32, i32
  }
  func.func @transform_2(%arg0: i32) -> (i32, i32, i32) {
    %c0_i32 = arith.constant 0 : i32
    %c0_i32_0 = arith.constant 0 : i32
    %c0_i32_1 = arith.constant 0 : i32
    return %c0_i32, %arg0, %c0_i32_0 : i32, i32, i32
  }
  func.func @transform_3(%arg0: i32) -> (i32, i32) {
    %c0_i32 = arith.constant 0 : i32
    %c0_i32_0 = arith.constant 0 : i32
    %c0_i32_1 = arith.constant 0 : i32
    return %c0_i32, %c0_i32_0 : i32, i32
  }
  func.func @transform_4(%arg0: i32) -> (i32, i32) {
    %c0_i32 = arith.constant 0 : i32
    %c0_i32_0 = arith.constant 0 : i32
    %c0_i32_1 = arith.constant 0 : i32
    return %c0_i32, %c0_i32_0 : i32, i32
  }
  func.func @transform_5(%arg0: i32) -> (i32, i32) {
    %c0_i32 = arith.constant 0 : i32
    %c0_i32_0 = arith.constant 0 : i32
    return %arg0, %c0_i32 : i32, i32
  }
}

module attributes {stable_mosaic.version = 14 : i64} {
  func.func @body(%arg0: i32, %arg1: memref<1000x128xf32, #tpu.memory_space<vmem>>, %arg2: memref<2x1000x128xf32, #tpu.memory_space<vmem>>, %arg3: memref<2x1000x16xf32, #tpu.memory_space<vmem>>, %arg4: memref<1x128xf32, #tpu.memory_space<vmem>>, %arg5: memref<128x40xf32, #tpu.memory_space<vmem>>, %arg6: memref<1x40xf32, #tpu.memory_space<vmem>>, %arg7: memref<1000x40xf32, #tpu.memory_space<vmem>>) attributes {dimension_semantics = [#tpu.dimension_semantics<arbitrary>], iteration_bounds = array<i64: 10>, scalar_prefetch = 0 : i64, scratch_operands = 0 : i64, tpu.core_type = #tpu.core_type<tc>, window_params = [{transform_indices = @transform_0, window_bounds = array<i64: 1000, 128>}, {transform_indices = @transform_1, window_bounds = array<i64: 2, 1000, 128>}, {transform_indices = @transform_2, window_bounds = array<i64: 2, 1000, 16>}, {pipeline_mode = #tpu.pipeline_mode<synchronous>, transform_indices = @transform_3, window_bounds = array<i64: 1, 128>}, {pipeline_mode = #tpu.pipeline_mode<synchronous>, transform_indices = @transform_4, window_bounds = array<i64: 128, 40>}, {pipeline_mode = #tpu.pipeline_mode<synchronous>, transform_indices = @transform_5, window_bounds = array<i64: 1, 40>}, {transform_indices = @transform_6, window_bounds = array<i64: 1000, 40>}]} {
    %get3A = arith.constant 0 : index
    %get3A_0 = arith.constant 0 : index
    %get3A_1 = arith.constant 0 : index
    %get3A_2 = vector.load %arg3[%get3A, %get3A_0, %get3A_1] : memref<2x1000x16xf32, #tpu.memory_space<vmem>>, vector<1x1000x1xf32>
    %get3A_3 = vector.shape_cast %get3A_2 : vector<1x1000x1xf32> to vector<1000x1xf32>
    %get3A_4 = arith.constant 1 : index
    %get3A_5 = arith.constant 0 : index
    %get3A_6 = arith.constant 0 : index
    %get3A_7 = vector.load %arg3[%get3A_4, %get3A_5, %get3A_6] : memref<2x1000x16xf32, #tpu.memory_space<vmem>>, vector<1x1000x1xf32>
    %get3A_8 = vector.shape_cast %get3A_7 : vector<1x1000x1xf32> to vector<1000x1xf32>
    %add3A = arith.addf %get3A_3, %get3A_8 : vector<1000x1xf32>
    %add3A_9 = arith.constant 1.000000e+00 : f32
    %add3A_10 = vector.broadcast %add3A_9 : f32 to vector<1000x1xf32>
    %add3A_11 = arith.addf %add3A, %add3A_10 : vector<1000x1xf32>
    %rsqrt3A = math.rsqrt %add3A_11 : vector<1000x1xf32>
    %get3A_12 = arith.constant 0 : index
    %get3A_13 = arith.constant 0 : index
    %get3A_14 = vector.load %arg1[%get3A_12, %get3A_13] : memref<1000x128xf32, #tpu.memory_space<vmem>>, vector<1000x128xf32>
    %get3A_15 = arith.constant 0 : index
    %get3A_16 = arith.constant 0 : index
    %get3A_17 = arith.constant 0 : index
    %get3A_18 = vector.load %arg2[%get3A_15, %get3A_16, %get3A_17] : memref<2x1000x128xf32, #tpu.memory_space<vmem>>, vector<1x1000x128xf32>
    %get3A_19 = vector.shape_cast %get3A_18 : vector<1x1000x128xf32> to vector<1000x128xf32>
    %add3A_20 = arith.addf %get3A_14, %get3A_19 : vector<1000x128xf32>
    %get3A_21 = arith.constant 1 : index
    %get3A_22 = arith.constant 0 : index
    %get3A_23 = arith.constant 0 : index
    %get3A_24 = vector.load %arg2[%get3A_21, %get3A_22, %get3A_23] : memref<2x1000x128xf32, #tpu.memory_space<vmem>>, vector<1x1000x128xf32>
    %get3A_25 = vector.shape_cast %get3A_24 : vector<1x1000x128xf32> to vector<1000x128xf32>
    %add3A_26 = arith.addf %add3A_20, %get3A_25 : vector<1000x128xf32>
    %mul3A = vector.broadcast %rsqrt3A : vector<1000x1xf32> to vector<1000x128xf32>
    %mul3A_27 = arith.mulf %add3A_26, %mul3A : vector<1000x128xf32>
    %get3A_28 = arith.constant 0 : index
    %get3A_29 = arith.constant 0 : index
    %get3A_30 = vector.load %arg4[%get3A_28, %get3A_29] : memref<1x128xf32, #tpu.memory_space<vmem>>, vector<1x128xf32>
    %add3A_31 = vector.broadcast %get3A_30 : vector<1x128xf32> to vector<1000x128xf32>
    %add3A_32 = arith.addf %mul3A_27, %add3A_31 : vector<1000x128xf32>
    %tanh3A = math.tanh %add3A_32 : vector<1000x128xf32>
    %get3A_33 = arith.constant 0 : index
    %get3A_34 = arith.constant 0 : index
    %get3A_35 = vector.load %arg5[%get3A_33, %get3A_34] : memref<128x40xf32, #tpu.memory_space<vmem>>, vector<128x40xf32>
    %dot_general3A = arith.constant dense<0.000000e+00> : vector<1000x40xf32>
    %dot_general3A_36 = tpu.matmul %tanh3A, %get3A_35, %dot_general3A {dimension_numbers = #tpu.dot_dimension_numbers<[1], [0], [0], [1], [0, 0, 1, 1], [], []>, transpose_lhs_hint = false} : vector<1000x128xf32>, vector<128x40xf32>, vector<1000x40xf32> -> vector<1000x40xf32>
    %get3A_37 = arith.constant 0 : index
    %get3A_38 = arith.constant 0 : index
    %get3A_39 = vector.load %arg6[%get3A_37, %get3A_38] : memref<1x40xf32, #tpu.memory_space<vmem>>, vector<1x40xf32>
    %add3A_40 = vector.broadcast %get3A_39 : vector<1x40xf32> to vector<1000x40xf32>
    %add3A_41 = arith.addf %dot_general3A_36, %add3A_40 : vector<1000x40xf32>
    %swap3A = arith.constant 0 : index
    %swap3A_42 = arith.constant 0 : index
    %swap3A_43 = vector.load %arg7[%swap3A, %swap3A_42] : memref<1000x40xf32, #tpu.memory_space<vmem>>, vector<1000x40xf32>
    tpu.vector_store %arg7[%swap3A, %swap3A_42], %add3A_41 {strides = array<i32>} : memref<1000x40xf32, #tpu.memory_space<vmem>>, vector<1000x40xf32>,
    return
  }
  func.func @transform_0(%arg0: i32) -> (i32, i32) {
    %c0_i32 = arith.constant 0 : i32
    %c0_i32_0 = arith.constant 0 : i32
    return %arg0, %c0_i32 : i32, i32
  }
  func.func @transform_1(%arg0: i32) -> (i32, i32, i32) {
    %c0_i32 = arith.constant 0 : i32
    %c0_i32_0 = arith.constant 0 : i32
    %c0_i32_1 = arith.constant 0 : i32
    return %c0_i32, %arg0, %c0_i32_0 : i32, i32, i32
  }
  func.func @transform_2(%arg0: i32) -> (i32, i32, i32) {
    %c0_i32 = arith.constant 0 : i32
    %c0_i32_0 = arith.constant 0 : i32
    %c0_i32_1 = arith.constant 0 : i32
    return %c0_i32, %arg0, %c0_i32_0 : i32, i32, i32
  }
  func.func @transform_3(%arg0: i32) -> (i32, i32) {
    %c0_i32 = arith.constant 0 : i32
    %c0_i32_0 = arith.constant 0 : i32
    %c0_i32_1 = arith.constant 0 : i32
    return %c0_i32, %c0_i32_0 : i32, i32
  }
  func.func @transform_4(%arg0: i32) -> (i32, i32) {
    %c0_i32 = arith.constant 0 : i32
    %c0_i32_0 = arith.constant 0 : i32
    %c0_i32_1 = arith.constant 0 : i32
    return %c0_i32, %c0_i32_0 : i32, i32
  }
  func.func @transform_5(%arg0: i32) -> (i32, i32) {
    %c0_i32 = arith.constant 0 : i32
    %c0_i32_0 = arith.constant 0 : i32
    %c0_i32_1 = arith.constant 0 : i32
    return %c0_i32, %c0_i32_0 : i32, i32
  }
  func.func @transform_6(%arg0: i32) -> (i32, i32) {
    %c0_i32 = arith.constant 0 : i32
    %c0_i32_0 = arith.constant 0 : i32
    return %arg0, %c0_i32 : i32, i32
  }
}

</mosaic_0001>

<sc_bundles>
// kernel: kernel.11.cloned.1.call-start
scs
__scs_entry_jumppad:
0x0: {  	(pc) =	sbr.rel $0x88, $3  }
0x1: {  	(tag) =	ssettag $0x0;
	lr =	simm.s32 $0x1  }
0x2: {  	[smem:$0x3F99] =	sst lr;
	_ =	strace $0xD0000000  }
0x3: {  	_ = 	snop  }
0x4: {  	_ = 	snop  }
0x5: {  	_ = 	snop  }
0x6: {  	_ = 	snop  }
0x7: {  	_ = 	snop  }
__scs_overlays_trampoline_lowered:
0x8: {  	[smem:$0x3FA8] =	sst s0  }
0x9: {  	[smem:$0x3FA9] =	sst s1  }
0xa: {  	[smem:$0x3FAA] =	sst s2  }
0xb: {  	[smem:$0x3FAB] =	sst s3  }
0xc: {  	[smem:$0x3FAC] =	sst s4  }
0xd: {  	[smem:$0x3FAD] =	sst s5  }
0xe: {  	[smem:$0x3FAE] =	sst s6  }
0xf: {  	[smem:$0x3FAF] =	sst s7  }
0x10: {  	[smem:$0x3FB0] =	sst s8  }
0x11: {  	[smem:$0x3FB1] =	sst s9;
	s0 =	simm.s32 @!p0 $0x0  }
0x12: {  	s1 =	sld [smem:$0x3F97];
	s0 =	simm.s32 @p0 $0x1  }
0x13: {  	[smem:$0x3FB2] =	sst s0;
	s0 =	simm.s32 @!p1 $0x0  }
0x14: {  	s2 =	sld [smem:$0x3F96];
	s0 =	simm.s32 @p1 $0x1  }
0x15: {  	[smem:$0x3FB3] =	sst s0;
	s0 =	simm.s32 @!p2 $0x0  }
0x16: {  	s3 =	sld [smem:$0x3FDB];
	s0 =	simm.s32 @p2 $0x1  }
0x17: {  	s4 =	simm.s32 $0x1BF5;
	[smem:$0x3FB5] =	sst s0  }
0x18: {  	s0 =	sld [smem:$0x3F98];
	_ =	swait.ge [sflag:s4], $0x0  }
0x19: {  	s7 =	sld [smem:$0x3F99]  }
0x1a: {  	s8 =	sadd.s32 $0xFFFFE003, lr  }
0x1b: {  	s9 =	sadd.s32 $0xFFFFFEF7, lr;
	s5 =	simm.s32 $0xFFFFFFFF;
	p2 =	slt.u32 s8, $0xFFFFF086  }
0x1c: {  	p1 =	slt.u32 s9, $0xF7A;
	s5 =	simm.s32 @!p2 $0x0  }
0x1d: {  	s5 =	simm.s32 @p1 $0x1;
	p0 =	seq.s32 s7, s2  }
0x1e: {  	s7 =	smul.u32 @!p0 $0xF7A, s2;
	p2 =	seq.s32 @!p0 s5, $0x0  }
0x1f: {  	s9 =	smul.u32 $0xF7A, s1;
	s8 =	simm.s32 @!p0 $0x1BF5;
	p2 =	por !p2, p0  }
0x20: {  	[sflag:s8] =	ssyncset.s32 @!p0 $0xFFFFF086;
	s6 =	sadd.s32 @!p0 s3, s7;
	s7 =	simm.s32 @!p0 $0x108  }
0x21: {  	s3 =	sadd.s32 s3, s9;
	s6 =	sadd.s32 @!p0 $0x88, s6;
	s7 =	simm.s32 @p2 $0x1082  }
0x22: {  	[simem:s7], [sflag:s8] =	dma.local @!p0 [hbm:s6], $0xF7A  }
0x23: {  	s9 =	sor.u32 $0xD0000000, s2;
	s6 =	simm.s32 $0x108;
	_ =	swait.ge @!p0 [sflag:s8], $0x0  }
0x24: {  	s3 =	sadd.s32 $0x88, s3;
	s6 =	simm.s32 @!p1 $0x1082;
	[sflag:s4] =	ssyncset.s32 $0xFFFFF086  }
0x25: {  	[simem:s6], [sflag:s4] =	dma.local [hbm:s3], $0xF7A  }
0x26: {  	[smem:$0x3F99] =	sst s1;
	(tag) =	ssettag s2;
	_ =	strace s9  }
0x27: {  	s1 =	sld [smem:$0x3FA9]  }
0x28: {  	s2 =	sld [smem:$0x3FAA]  }
0x29: {  	s4 =	sld [smem:$0x3FAC]  }
0x2a: {  	p0 =	seq.s32 s5, $0x0;
	s5 =	sld [smem:$0x3FAD]  }
0x2b: {  	s6 =	sld [smem:$0x3FAE]  }
0x2c: {  	s7 =	sld [smem:$0x3FAF]  }
0x2d: {  	s3 =	simm.s32 $0x108;
	s8 =	sld [smem:$0x3FB0]  }
0x2e: {  	s3 =	simm.s32 @!p0 $0x1082;
	s9 =	sld [smem:$0x3FB1]  }
0x2f: {  	lr =	sadd.s32 s0, s3;
	s0 =	sld [smem:$0x3FA8]  }
0x30: {  	s3 =	sld [smem:$0x3FAB]  }
0x31: {  	[smem:$0x3FB4] =	sst s10  }
0x32: {  	s10 =	sld [smem:$0x3FB2];
	_ =	sdelay $0x3  }
0x33: {  	p0 =	seq.s32 s10, $0x1;
	s10 =	sld [smem:$0x3FB4];
	_ =	sdelay $0x3  }
0x34: {  	[smem:$0x3FB4] =	sst s10  }
0x35: {  	s10 =	sld [smem:$0x3FB3];
	_ =	sdelay $0x3  }
0x36: {  	p1 =	seq.s32 s10, $0x1;
	s10 =	sld [smem:$0x3FB4];
	_ =	sdelay $0x3  }
0x37: {  	[smem:$0x3FB4] =	sst s10  }
0x38: {  	s10 =	sld [smem:$0x3FB5]  }
0x39: {  	_ = 	snop;
	(pc) =	sbr.ind lr, $3  }
0x3a: {  	_ = 	snop  }
0x3b: {  	_ = 	snop  }
0x3c: {  	p2 =	seq.s32 s10, $0x1;
	s10 =	sld [smem:$0x3FB4]  }
0x3d: {  	_ =	shalt  }
0x3e: {  	_ =	shalt  }
0x3f: {  	_ =	shalt  }
0x40: {  	_ =	shalt  }
0x41: {  	_ =	shalt  }
0x42: {  	_ =	shalt  }
0x43: {  	_ =	shalt  }
0x44: {  	_ =	shalt  }
0x45: {  	_ =	shalt  }
0x46: {  	_ =	shalt  }
0x47: {  	_ =	shalt  }
0x48: {  	_ =	shalt  }
0x49: {  	_ =	shalt  }
0x4a: {  	_ =	shalt  }
0x4b: {  	_ =	shalt  }
0x4c: {  	_ =	shalt  }
0x4d: {  	_ =	shalt  }
0x4e: {  	_ =	shalt  }
0x4f: {  	_ =	shalt  }
0x50: {  	_ =	shalt  }
0x51: {  	_ =	shalt  }
0x52: {  	_ =	shalt  }
0x53: {  	_ =	shalt  }
0x54: {  	_ =	shalt  }
0x55: {  	_ =	shalt  }
0x56: {  	_ =	shalt  }
0x57: {  	_ =	shalt  }
0x58: {  	_ =	shalt  }
0x59: {  	_ =	shalt  }
0x5a: {  	_ =	shalt  }
0x5b: {  	_ =	shalt  }
0x5c: {  	_ =	shalt  }
0x5d: {  	_ =	shalt  }
0x5e: {  	_ =	shalt  }
0x5f: {  	_ =	shalt  }
0x60: {  	_ =	shalt  }
0x61: {  	_ =	shalt  }
0x62: {  	_ =	shalt  }
0x63: {  	_ =	shalt  }
0x64: {  	_ =	shalt  }
0x65: {  	_ =	shalt  }
0x66: {  	_ =	shalt  }
0x67: {  	_ =	shalt  }
0x68: {  	_ =	shalt  }
0x69: {  	_ =	shalt  }
0x6a: {  	_ =	shalt  }
0x6b: {  	_ =	shalt  }
0x6c: {  	_ =	shalt  }
0x6d: {  	_ =	shalt  }
0x6e: {  	_ =	shalt  }
0x6f: {  	_ =	shalt  }
0x70: {  	_ =	shalt  }
0x71: {  	_ =	shalt  }
0x72: {  	_ =	shalt  }
0x73: {  	_ =	shalt  }
0x74: {  	_ =	shalt  }
0x75: {  	_ =	shalt  }
0x76: {  	_ =	shalt  }
0x77: {  	_ =	shalt  }
0x78: {  	_ =	shalt  }
0x79: {  	_ =	shalt  }
0x7a: {  	_ =	shalt  }
0x7b: {  	_ =	shalt  }
0x7c: {  	_ =	shalt  }
0x7d: {  	_ =	shalt  }
0x7e: {  	_ =	shalt  }
0x7f: {  	_ =	shalt  }
0x80: {  	_ =	shalt  }
0x81: {  	_ =	shalt  }
0x82: {  	_ =	shalt  }
0x83: {  	_ =	shalt  }
0x84: {  	_ =	shalt  }
0x85: {  	_ =	shalt  }
0x86: {  	_ =	shalt  }
0x87: {  	_ =	shalt  }
.Lfunc_end0:
.L_simem_size_0:
called_computation.1_lowered:
.L_overlay_start_0:
0x88: {  	s2 =	sld [smem:$0x3FD9]  }
0x89: {  	s3 =	sld [smem:$0x3FFE];
	_ =	sdelay $0x1  }
0x8a: {  	s1 =	srdreg.scid  }
0x8b: {  	s0 =	sand.u32 $0x1, s1  }
0x8c: {  	s16 =	sshll.u32 s0, $0xA;
	s2 =	sadd.s32 s3, s2  }
0x8d: {  	s2 =	sadd.s32 s2, s16  }
0x8e: {  	[smem:$0x3FC0] =	sst s2  }
0x8f: {  	_ = 	snop  }
0x90: {  	(tm) =	ssettm $0x1  }
0x91: {  	s17 =	sld [smem:$0x3FFB];
	_ =	sdelay $0x3  }
0x92: {  	_ =	strace s17  }
0x93: {  	s2 =	sld [smem:$0x3FFC];
	_ =	sdelay $0x3  }
0x94: {  	_ =	strace s2  }
0x95: {  	s2 =	sld [smem:$0x3FFD];
	_ =	sdelay $0x3  }
0x96: {  	_ =	strace s2  }
0x97: {  	_ =	strace $0x8FFFFFFF  }
0x98: {  	s18 =	sld [smem:$0x3FDB];
	_ =	sdelay $0x1  }
0x99: {  	s19 =	simm.s32 $_scs_section_size  }
0x9a: {  	s4 =	simm.s32 $_size__tile_overlayer_lowered;
	s5 =	simm.s32 $_tile_overlayer_lowered  }
0x9b: {  	s22 =	simm.s32 $0x1BFF;
	s21 =	sshll.u32 s5, $0x1;
	s2 =	sadd.s32 s19, s18  }
0x9c: {  	s6 =	simm.s32 $0x0;
	s20 =	sshll.u32 s4, $0x1;
	s4 =	sadd.s32 s21, s2  }
0x9d: {  	[timem:s6], [sflag:s22] =	dma.local [hbm:s4], s20  }
0x9e: {  	_ =	swait.ge [sflag:s22], s20  }
0x9f: {  	s3 =	ssub.s32 $0x0, s20;
	[sflag:s22] =	ssyncset.done $0x0  }
0xa0: {  	[sflag:s22] =	ssyncadd.s32 s3;
	_ =	sdelay $0x1  }
0xa1: {  	s23 =	simm.s32 $0x1B8B  }
0xa2: {  	_ =	swait.ge [sflag:s23], $0x1  }
0xa3: {  	[sflag:s23] =	ssyncset.done $0x0  }
0xa4: {  	s25 =	simm.s32 $0x1B8E;
	s24 =	sld [smem:$0x3FFE];
	[sflag:s23] =	ssyncadd.s32 $0xFFFFFFFF  }
0xa5: {  	s26 =	simm.s32 $execute0_lowered;
	[smem:$0x3FD2] =	sst s25  }
0xa6: {  	s4 =	sshll.u32 s26, $0x1;
	_ =	strace $0x80000049;
	[dreg:$0x1] =	wrdreg $0xFFFFFFFF  }
0xa7: {  	s28 =	simm.s32 $_size_execute0_lowered;
	s2 =	sadd.s32 s2, s4;
	[dreg:$0x0] =	wrdreg $0x0  }
0xa8: {  	s4 =	sshll.u32 s28, $0x1;
	[dreg:$0x2] =	wrdreg s2  }
0xa9: {  	[dreg:$0x3] =	wrdreg s4  }
0xaa: {  	[dreg:$0x4] =	wrdreg $0xC0  }
0xab: {  	_ =	task [dreg:s6], $0x5FFFF  }
0xac: {  	[dreg:$0x1] =	wrdreg $0xFFFFFFFF  }
0xad: {  	[dreg:$0x0] =	wrdreg $0x60  }
0xae: {  	[dreg:$0x2] =	wrdreg s24  }
0xaf: {  	[dreg:$0x3] =	wrdreg $0x6F000  }
0xb0: {  	[dreg:$0x4] =	wrdreg $0x10F000  }
0xb1: {  	[dreg:$0x5] =	wrdreg $0x9  }
0xb2: {  	_ =	task.clear_ibuf [dreg:s6], $0x6FFFF;
	_ =	strace $0x90000049  }
0xb3: {  	s29 =	simm.s32 $0x9;
	_ =	strace $0x8000004B  }
0xb4: {  	_ =	swait.ge [sflag:s29], $0x1  }
0xb5: {  	[sflag:s29] =	ssyncadd.s32 $0xFFFFFFFF  }
0xb6: {  	_ =	strace $0x9000004B  }
0xb7: {  	_ =	sfence  }
0xb8: {  	s30 =	sld [smem:$0x0];
	_ =	sdelay $0x2  }
0xb9: {  	s31 =	sshll.u32 s1, $0xD;
	s1 =	sshrl.u32 s1, $0x2  }
0xba: {  	s3 =	sand.u32 $0x4000, s31;
	s1 =	sadd.s32 s1, s30  }
0xbb: {  	s0 =	sor.u32 s3, s0;
	s1 =	sshll.u32 s1, $0x11  }
0xbc: {  	s0 =	sor.u32 s1, s0  }
0xbd: {  	s0 =	sadd.s32 $0x8F2B, s0  }
0xbe: {  	[sflag:s0] =	ssyncadd.remote.s32 $0x1  }
0xbf: {  	_ =	sfence.sel $0xFFFF  }
0xc0: {  	[dreg:$0x0] =	wrdreg $0xFFFFFFFF;
	(pc) =	sbr.abs _section_cstart, $3  }
0xc1: {  	[dreg:$0x1] =	wrdreg $0xFFFFFFFF  }
0xc2: {  	_ =	task.clear_ibuf [dreg:s6], $0x2FFFF;
	_ =	strace $0x9FFFFFFF  }
0xc3: {  	(tm) =	ssettm $0x7FFFFFFF  }
tec
execute0_lowered:
.L_overlay_start_1:
0x0: {  	(tag) =	ssettag $0x1  }
0x1: {  	s0 =	rddreg [dreg:$0x0]  }
0x2: {  	s2 =	rddreg [dreg:$0x1]  }
0x3: {  	s3 =	rddreg [dreg:$0x2]  }
0x4: {  	s4 =	simm.s32 $0x0;
	s7 =	stileid.u32;
	s1 =	srdreg.scid  }
0x5: {  	s28 =	simm.s32 $0x2;
	s30 =	simm.s32 $0x80;
	s31 =	simm.s32 $0x1  }
0x6: {  	s17 =	smul.u32 $0xA000, s7;
	s1 =	sand.u32 $0x1, s1;
	s5 =	sshll.u32 s7, $0x1  }
0x7: {  	[smem:$0x7FF] =	sst s4;
	s7 =	smul.u32 $0x28000, s7;
	s23 =	sadd.s32 $0xA2000, s0  }
0x8: {  	s5 =	sor.u32 s1, s5;
	_ =	strace $0x8000004A;
	s22 =	ssub.s32 $0x2, s1  }
0x9: {  	[dreg:$0x4] =	wrdreg s23;
	s1 =	smul.u32 $0xA0000, s1;
	s6 =	sshrl.u32 s17, $0x3  }
0xa: {  	s5 =	smul.u32 $0x4F0, s5;
	s10 =	sshrl.u32 s22, $0x1;
	s24 =	sshrl.u32 s7, $0x2  }
0xb: {  	s21 =	sadd.s32 $0x2000, s17;
	s23 =	sadd.s32 $0x6000, s17;
	s9 =	sadd.s32 s6, s0  }
0xc: {  	s11 =	ssub.s32 s22, s10;
	s6 =	sadd.s32 s24, s2;
	s10 =	sadd.s32 s17, s2  }
0xd: {  	s14 =	sadd.s32 s1, s17;
	s15 =	sadd.s32 s1, s21;
	s22 =	sadd.s32 $0x4000, s17  }
0xe: {  	s24 =	sadd.s32 $0x8000, s17;
	s29 =	sadd.s32 s1, s23;
	s21 =	sadd.s32 s21, s2  }
0xf: {  	s23 =	sadd.s32 s23, s2;
	s8 =	sadd.s32 s5, s0;
	s0 =	sadd.s32 $0xA2400, s0  }
0x10: {  	s9 =	sadd.s32 $0x8E000, s9;
	s11 =	smax.u32 s11, $0x1;
	s12 =	sadd.s32 $0x2000, s6  }
0x11: {  	s13 =	sadd.s32 $0x4000, s6;
	s16 =	sshrl.u32 s14, $0x3;
	s18 =	sshrl.u32 s15, $0x3  }
0x12: {  	s14 =	sadd.s32 $0x6000, s6;
	s26 =	sadd.s32 s1, s22;
	s1 =	sadd.s32 s1, s24  }
0x13: {  	s20 =	sadd.s32 $0x8000, s6;
	s22 =	sadd.s32 s22, s2;
	s24 =	sadd.s32 s24, s2  }
0x14: {  	s25 =	sadd.s32 $0xD000, s8;
	s8 =	sadd.s32 $0x3000, s8;
	s15 =	sadd.s32 s0, s16  }
0x15: {  	s16 =	sadd.s32 s0, s18;
	s18 =	sshrl.u32 s29, $0x3;
	s1 =	sshrl.u32 s1, $0x3  }
0x16: {  	[dreg:$0x5] =	wrdreg s25;
	s25 =	sadd.s32 s17, s3;
	s17 =	sshrl.u32 s26, $0x3  }
0x17: {  	s18 =	sadd.s32 s0, s18;
	s19 =	sadd.s32 s0, s1;
	s26 =	simm.s32 $0x4F00  }
0x18: {  	s17 =	sadd.s32 s0, s17;
	s25 =	sshrl.u32 s25, $0x3;
	s0 =	simm.s32 $0x0  }
.LBB2_1:
0x19: {  	s1 =	rddreg [dreg:$0x4]  }
0x1a: {  	[tilespmem:s26], [sflag:$0x2] =	stream.linear.gather [hbm4b:s1+s4], $0x2000, $0x38;
	[tilespmem:$0x1AF00] =	vst v63  }
0x1b: {  	_ =	swait.ge [sflag:s28], $0x2000  }
0x1c: {  	[sflag:s28] =	ssyncset.done $0x0  }
0x1d: {  	[sflag:s28] =	ssyncadd.s32 $0xFFFFE000  }
0x1e: {  	[spmem:s6] =	stream.linear.scatter [tilespmem:s26], [sflag:$0x2], $0x2000, $0x38;
	[tilespmem:$0x1AF00] =	vst v63  }
0x1f: {  	_ =	swait.ge [sflag:s28], $0x2000  }
0x20: {  	[sflag:s28] =	ssyncset.done $0x0  }
0x21: {  	[sflag:s28] =	ssyncadd.s32 $0xFFFFE000  }
0x22: {  	[spmem:s12] =	stream.linear.scatter [tilespmem:s26], [sflag:$0x2], $0x2000, $0x38;
	[tilespmem:$0x1AF00] =	vst v63  }
0x23: {  	_ =	swait.ge [sflag:s28], $0x2000  }
0x24: {  	[sflag:s28] =	ssyncset.done $0x0  }
0x25: {  	[sflag:s28] =	ssyncadd.s32 $0xFFFFE000  }
0x26: {  	[spmem:s13] =	stream.linear.scatter [tilespmem:s26], [sflag:$0x2], $0x2000, $0x38;
	[tilespmem:$0x1AF00] =	vst v63  }
0x27: {  	_ =	swait.ge [sflag:s28], $0x2000  }
0x28: {  	[sflag:s28] =	ssyncset.done $0x0  }
0x29: {  	[sflag:s28] =	ssyncadd.s32 $0xFFFFE000  }
0x2a: {  	[spmem:s14] =	stream.linear.scatter [tilespmem:s26], [sflag:$0x2], $0x2000, $0x38;
	[tilespmem:$0x1AF00] =	vst v63  }
0x2b: {  	_ =	swait.ge [sflag:s28], $0x2000  }
0x2c: {  	[sflag:s28] =	ssyncset.done $0x0  }
0x2d: {  	[sflag:s28] =	ssyncadd.s32 $0xFFFFE000  }
0x2e: {  	[spmem:s20] =	stream.linear.scatter [tilespmem:s26], [sflag:$0x2], $0x2000, $0x38;
	[tilespmem:$0x1AF00] =	vst v63  }
0x2f: {  	_ =	swait.ge [sflag:s28], $0x2000  }
0x30: {  	[sflag:s28] =	ssyncset.done $0x0  }
0x31: {  	s7 =	rddreg [dreg:$0x5];
	[sflag:s28] =	ssyncadd.s32 $0xFFFFE000  }
0x32: {  	[tilespmem:s4], [sflag:$0x2] =	stream.linear.gather [hbm4b:s7+s4], $0x2780, $0x38;
	[tilespmem:$0x1AF00] =	vst v63  }
0x33: {  	_ =	swait.ge [sflag:s28], $0x2780  }
0x34: {  	[sflag:s28] =	ssyncset.done $0x0  }
0x35: {  	s5 =	simm.s32 $0x2780;
	[sflag:s28] =	ssyncadd.s32 $0xFFFFD880  }
0x36: {  	[tilespmem:s5], [sflag:$0x2] =	stream.linear.gather [hbm4b:s8+s4], $0x2780, $0x38;
	[tilespmem:$0x1AF00] =	vst v63  }
0x37: {  	s7 =	stileid.u32;
	_ =	swait.ge [sflag:s28], $0x2780  }
0x38: {  	s1 =	sshll.u32 s7, $0x6;
	[sflag:s28] =	ssyncset.done $0x0  }
0x39: {  	s1 =	sor.u32 $0x1C02, s1;
	[sflag:s28] =	ssyncadd.s32 $0xFFFFD880  }
0x3a: {  	[spmem:s25], [sflag:s1] =	dma.local [hbm:s9], $0x1400  }
0x3b: {  	_ =	swait.ge [sflag:s28], $0x1400  }
0x3c: {  	[sflag:s28] =	ssyncset.done $0x0  }
0x3d: {  	[sflag:s28] =	ssyncadd.s32 $0xFFFFEC00  }
0x3e: {  	s5 =	simm.s32 $0x0;
	[bflag:$0x0] =	sbarrier.arrive $0xFFFF  }
0x3f: {  	[tilespmem:s26], [sflag:$0x1] =	stream.indirect.gather [spmem:s3], $0x40, s5, s30, $0xb8;
	[tilespmem:$0x1AF00] =	vst v63  }
0x40: {  	_ =	swait.ge [sflag:s31], $0x2000  }
0x41: {  	[sflag:s31] =	ssyncset.done $0x0  }
0x42: {  	s7 =	simm.s32 $0x2780;
	[sflag:s31] =	ssyncadd.s32 $0xFFFFE000  }
0x43: {  	[spmem:s2] =	stream.indirect.scatter.add.f32 [tilespmem:s26], [sflag:$0x2], $0x40, s7, s30, $0xb8;
	[tilespmem:$0x1AF00] =	vst v63  }
0x44: {  	_ =	swait.ge [sflag:s28], $0x2000  }
0x45: {  	s29 =	simm.s32 $0x400;
	s1 =	simm.s32 $0x200;
	[sflag:s28] =	ssyncset.done $0x0  }
.LBB2_2:
0x46: {  	s5 =	sshra.s32 s1, $0x2  }
0x47: {  	[sflag:s28] =	ssyncadd.s32 $0xFFFFE000;
	s1 =	smov.u32 s29;
	s7 =	sadd.s32 $0x200, s29  }
0x48: {  	[tilespmem:s26], [sflag:$0x1] =	stream.indirect.gather [spmem:s3], $0x40, s5, s30, $0xb8;
	[tilespmem:$0x1AF00] =	vst v63  }
0x49: {  	p0 =	sne.s32 s29, $0x9C00;
	_ =	swait.ge [sflag:s31], $0x2000  }
.Ltmp0:
0x4a: {  	[sflag:s31] =	ssyncset.done $0x0;
	(pc) =	sbr.rel @p0 .LBB2_2-.Ltmp0, $4  }
0x4b: {  	s5 =	sadd.s32 $0x2780, s5;
	[sflag:s31] =	ssyncadd.s32 $0xFFFFE000  }
0x4c: {  	[spmem:s2] =	stream.indirect.scatter.add.f32 [tilespmem:s26], [sflag:$0x2], $0x40, s5, s30, $0xb8;
	[tilespmem:$0x1AF00] =	vst v63  }
0x4d: {  	_ =	swait.ge [sflag:s28], $0x2000  }
0x4e: {  	s29 =	smov.u32 s7;
	[sflag:s28] =	ssyncset.done $0x0  }
0x4f: {  	s1 =	sshra.s32 s1, $0x2;
	[sflag:s28] =	ssyncadd.s32 $0xFFFFE000  }
0x50: {  	[tilespmem:s26], [sflag:$0x1] =	stream.indirect.gather [spmem:s3], $0x40, s1, s30, $0xb8;
	[tilespmem:$0x1AF00] =	vst v63  }
0x51: {  	_ =	swait.ge [sflag:s31], $0x2000  }
0x52: {  	[sflag:s31] =	ssyncset.done $0x0  }
0x53: {  	s1 =	sadd.s32 $0x2780, s1;
	[sflag:s31] =	ssyncadd.s32 $0xFFFFE000  }
0x54: {  	[spmem:s2] =	stream.indirect.scatter.add.f32 [tilespmem:s26], [sflag:$0x2], $0x40, s1, s30, $0xb8;
	[tilespmem:$0x1AF00] =	vst v63  }
0x55: {  	_ =	swait.ge [sflag:s28], $0x2000  }
0x56: {  	[sflag:s28] =	ssyncset.done $0x0  }
0x57: {  	[sflag:s28] =	ssyncadd.s32 $0xFFFFE000  }
0x58: {  	[bflag:$0x0] =	sbarrier.arrive $0xFFFF  }
0x59: {  	[tilespmem:s26], [sflag:$0x2] =	stream.linear.gather [spmem:s10], $0x2000, $0x38;
	[tilespmem:$0x1AF00] =	vst v63  }
0x5a: {  	_ =	swait.ge [sflag:s28], $0x2000  }
0x5b: {  	[sflag:s28] =	ssyncset.done $0x0  }
0x5c: {  	[sflag:s28] =	ssyncadd.s32 $0xFFFFE000  }
0x5d: {  	[hbm4b:s15+s4] =	stream.linear.scatter [tilespmem:s26], [sflag:$0x2], $0x2000, $0x38;
	[tilespmem:$0x1AF00] =	vst v63  }
0x5e: {  	_ =	swait.ge [sflag:s28], $0x2000  }
0x5f: {  	[sflag:s28] =	ssyncset.done $0x0  }
0x60: {  	[sflag:s28] =	ssyncadd.s32 $0xFFFFE000  }
0x61: {  	[tilespmem:s26], [sflag:$0x2] =	stream.linear.gather [spmem:s21], $0x2000, $0x38;
	[tilespmem:$0x1AF00] =	vst v63  }
0x62: {  	_ =	swait.ge [sflag:s28], $0x2000  }
0x63: {  	[sflag:s28] =	ssyncset.done $0x0  }
0x64: {  	[sflag:s28] =	ssyncadd.s32 $0xFFFFE000  }
0x65: {  	[hbm4b:s16+s4] =	stream.linear.scatter [tilespmem:s26], [sflag:$0x2], $0x2000, $0x38;
	[tilespmem:$0x1AF00] =	vst v63  }
0x66: {  	_ =	swait.ge [sflag:s28], $0x2000  }
0x67: {  	[sflag:s28] =	ssyncset.done $0x0  }
0x68: {  	[sflag:s28] =	ssyncadd.s32 $0xFFFFE000  }
0x69: {  	[tilespmem:s26], [sflag:$0x2] =	stream.linear.gather [spmem:s22], $0x2000, $0x38;
	[tilespmem:$0x1AF00] =	vst v63  }
0x6a: {  	_ =	swait.ge [sflag:s28], $0x2000  }
0x6b: {  	[sflag:s28] =	ssyncset.done $0x0  }
0x6c: {  	[sflag:s28] =	ssyncadd.s32 $0xFFFFE000  }
0x6d: {  	[hbm4b:s17+s4] =	stream.linear.scatter [tilespmem:s26], [sflag:$0x2], $0x2000, $0x38;
	[tilespmem:$0x1AF00] =	vst v63  }
0x6e: {  	_ =	swait.ge [sflag:s28], $0x2000  }
0x6f: {  	[sflag:s28] =	ssyncset.done $0x0  }
0x70: {  	[sflag:s28] =	ssyncadd.s32 $0xFFFFE000  }
0x71: {  	[tilespmem:s26], [sflag:$0x2] =	stream.linear.gather [spmem:s23], $0x2000, $0x38;
	[tilespmem:$0x1AF00] =	vst v63  }
0x72: {  	_ =	swait.ge [sflag:s28], $0x2000  }
0x73: {  	[sflag:s28] =	ssyncset.done $0x0  }
0x74: {  	[sflag:s28] =	ssyncadd.s32 $0xFFFFE000  }
0x75: {  	[hbm4b:s18+s4] =	stream.linear.scatter [tilespmem:s26], [sflag:$0x2], $0x2000, $0x38;
	[tilespmem:$0x1AF00] =	vst v63  }
0x76: {  	_ =	swait.ge [sflag:s28], $0x2000  }
0x77: {  	[sflag:s28] =	ssyncset.done $0x0  }
0x78: {  	[sflag:s28] =	ssyncadd.s32 $0xFFFFE000  }
0x79: {  	[tilespmem:s26], [sflag:$0x2] =	stream.linear.gather [spmem:s24], $0x2000, $0x38;
	[tilespmem:$0x1AF00] =	vst v63  }
0x7a: {  	s0 =	sadd.s32 $0x1, s0;
	_ =	swait.ge [sflag:s28], $0x2000  }
0x7b: {  	p0 =	sne.s32 s0, s11;
	[sflag:s28] =	ssyncset.done $0x0  }
.Ltmp1:
0x7c: {  	[sflag:s28] =	ssyncadd.s32 $0xFFFFE000;
	(pc) =	sbr.rel @p0 .LBB2_1-.Ltmp1, $4  }
0x7d: {  	[hbm4b:s19+s4] =	stream.linear.scatter [tilespmem:s26], [sflag:$0x2], $0x2000, $0x38;
	[tilespmem:$0x1AF00] =	vst v63  }
0x7e: {  	_ =	swait.ge [sflag:s28], $0x2000  }
0x7f: {  	[sflag:s28] =	ssyncset.done $0x0  }
0x80: {  	[sflag:s28] =	ssyncadd.s32 $0xFFFFE000  }
0x81: {  	_ =	sfence.sel $0x180000  }
0x82: {  	[bflag:$0x0] =	sbarrier.arrive $0xFFFF  }
0x83: {  	_ =	strace $0x9000004A  }
0x84: {  	s0 =	stileid.u32;
	[bflag:$0x2] =	sbarrier.arrive $0xFFFF  }
0x85: {  	p0 =	sne.s32 s0, $0x0;
	s0 =	rddreg [dreg:$0x3]  }
0x86: {  	s0 =	sadd.s32 @!p0 $0x100000, s0  }
0x87: {  	[sflag:s0] =	ssyncadd.tile.s32 @!p0 $0x1;
	_ =	shalt  }
.Lfunc_end2:
_tile_overlayer_lowered:
.L_overlay_start_2:
0x88: {  	(tag) =	ssettag $0x2  }
0x89: {  	s0 =	rddreg [dreg:$0x0];
	s2 =	stileid.u32  }
0x8a: {  	s1 =	rddreg [dreg:$0x1];
	p0 =	sne.s32 s2, $0x0  }
0x8b: {  	s3 =	rddreg [dreg:$0x2];
	[bflag:$0x3] =	sbarrier.arrive $0xFFFF;
	s2 =	simm.s32 @!p0 $0x1C02  }
0x8c: {  	[timem:s3], [sflag:s2] =	dma.local @!p0 [hbm:s0], s1  }
0x8d: {  	s0 =	simm.s32 @!p0 $0x2  }
0x8e: {  	_ =	swait.ge @!p0 [sflag:s0], s1  }
0x8f: {  	s1 =	ssub.s32 @!p0 $0x0, s1;
	[sflag:s0] =	ssyncset.done @!p0 $0x0  }
0x90: {  	[sflag:s0] =	ssyncadd.s32 @!p0 s1  }
0x91: {  	[bflag:$0x3] =	sbarrier.arrive $0xFFFF  }
0x92: {  	_ =	shalt  }

// kernel: kernel.14.cloned.1.call-start
scs
__scs_entry_jumppad:
0x0: {  	(pc) =	sbr.rel $0x88, $3  }
0x1: {  	(tag) =	ssettag $0x0;
	lr =	simm.s32 $0x1  }
0x2: {  	[smem:$0x3F99] =	sst lr;
	_ =	strace $0xD0000000  }
0x3: {  	_ = 	snop  }
0x4: {  	_ = 	snop  }
0x5: {  	_ = 	snop  }
0x6: {  	_ = 	snop  }
0x7: {  	_ = 	snop  }
__scs_overlays_trampoline_lowered:
0x8: {  	[smem:$0x3FA8] =	sst s0  }
0x9: {  	[smem:$0x3FA9] =	sst s1  }
0xa: {  	[smem:$0x3FAA] =	sst s2  }
0xb: {  	[smem:$0x3FAB] =	sst s3  }
0xc: {  	[smem:$0x3FAC] =	sst s4  }
0xd: {  	[smem:$0x3FAD] =	sst s5  }
0xe: {  	[smem:$0x3FAE] =	sst s6  }
0xf: {  	[smem:$0x3FAF] =	sst s7  }
0x10: {  	[smem:$0x3FB0] =	sst s8  }
0x11: {  	[smem:$0x3FB1] =	sst s9;
	s0 =	simm.s32 @!p0 $0x0  }
0x12: {  	s1 =	sld [smem:$0x3F97];
	s0 =	simm.s32 @p0 $0x1  }
0x13: {  	[smem:$0x3FB2] =	sst s0;
	s0 =	simm.s32 @!p1 $0x0  }
0x14: {  	s2 =	sld [smem:$0x3F96];
	s0 =	simm.s32 @p1 $0x1  }
0x15: {  	[smem:$0x3FB3] =	sst s0;
	s0 =	simm.s32 @!p2 $0x0  }
0x16: {  	s3 =	sld [smem:$0x3FDB];
	s0 =	simm.s32 @p2 $0x1  }
0x17: {  	s4 =	simm.s32 $0x1BF5;
	[smem:$0x3FB5] =	sst s0  }
0x18: {  	s0 =	sld [smem:$0x3F98];
	_ =	swait.ge [sflag:s4], $0x0  }
0x19: {  	s7 =	sld [smem:$0x3F99]  }
0x1a: {  	s8 =	sadd.s32 $0xFFFFE003, lr  }
0x1b: {  	s9 =	sadd.s32 $0xFFFFFEF7, lr;
	s5 =	simm.s32 $0xFFFFFFFF;
	p2 =	slt.u32 s8, $0xFFFFF086  }
0x1c: {  	p1 =	slt.u32 s9, $0xF7A;
	s5 =	simm.s32 @!p2 $0x0  }
0x1d: {  	s5 =	simm.s32 @p1 $0x1;
	p0 =	seq.s32 s7, s2  }
0x1e: {  	s7 =	smul.u32 @!p0 $0xF7A, s2;
	p2 =	seq.s32 @!p0 s5, $0x0  }
0x1f: {  	s9 =	smul.u32 $0xF7A, s1;
	s8 =	simm.s32 @!p0 $0x1BF5;
	p2 =	por !p2, p0  }
0x20: {  	[sflag:s8] =	ssyncset.s32 @!p0 $0xFFFFF086;
	s6 =	sadd.s32 @!p0 s3, s7;
	s7 =	simm.s32 @!p0 $0x108  }
0x21: {  	s3 =	sadd.s32 s3, s9;
	s6 =	sadd.s32 @!p0 $0x88, s6;
	s7 =	simm.s32 @p2 $0x1082  }
0x22: {  	[simem:s7], [sflag:s8] =	dma.local @!p0 [hbm:s6], $0xF7A  }
0x23: {  	s9 =	sor.u32 $0xD0000000, s2;
	s6 =	simm.s32 $0x108;
	_ =	swait.ge @!p0 [sflag:s8], $0x0  }
0x24: {  	s3 =	sadd.s32 $0x88, s3;
	s6 =	simm.s32 @!p1 $0x1082;
	[sflag:s4] =	ssyncset.s32 $0xFFFFF086  }
0x25: {  	[simem:s6], [sflag:s4] =	dma.local [hbm:s3], $0xF7A  }
0x26: {  	[smem:$0x3F99] =	sst s1;
	(tag) =	ssettag s2;
	_ =	strace s9  }
0x27: {  	s1 =	sld [smem:$0x3FA9]  }
0x28: {  	s2 =	sld [smem:$0x3FAA]  }
0x29: {  	s4 =	sld [smem:$0x3FAC]  }
0x2a: {  	p0 =	seq.s32 s5, $0x0;
	s5 =	sld [smem:$0x3FAD]  }
0x2b: {  	s6 =	sld [smem:$0x3FAE]  }
0x2c: {  	s7 =	sld [smem:$0x3FAF]  }
0x2d: {  	s3 =	simm.s32 $0x108;
	s8 =	sld [smem:$0x3FB0]  }
0x2e: {  	s3 =	simm.s32 @!p0 $0x1082;
	s9 =	sld [smem:$0x3FB1]  }
0x2f: {  	lr =	sadd.s32 s0, s3;
	s0 =	sld [smem:$0x3FA8]  }
0x30: {  	s3 =	sld [smem:$0x3FAB]  }
0x31: {  	[smem:$0x3FB4] =	sst s10  }
0x32: {  	s10 =	sld [smem:$0x3FB2];
	_ =	sdelay $0x3  }
0x33: {  	p0 =	seq.s32 s10, $0x1;
	s10 =	sld [smem:$0x3FB4];
	_ =	sdelay $0x3  }
0x34: {  	[smem:$0x3FB4] =	sst s10  }
0x35: {  	s10 =	sld [smem:$0x3FB3];
	_ =	sdelay $0x3  }
0x36: {  	p1 =	seq.s32 s10, $0x1;
	s10 =	sld [smem:$0x3FB4];
	_ =	sdelay $0x3  }
0x37: {  	[smem:$0x3FB4] =	sst s10  }
0x38: {  	s10 =	sld [smem:$0x3FB5]  }
0x39: {  	_ = 	snop;
	(pc) =	sbr.ind lr, $3  }
0x3a: {  	_ = 	snop  }
0x3b: {  	_ = 	snop  }
0x3c: {  	p2 =	seq.s32 s10, $0x1;
	s10 =	sld [smem:$0x3FB4]  }
0x3d: {  	_ =	shalt  }
0x3e: {  	_ =	shalt  }
0x3f: {  	_ =	shalt  }
0x40: {  	_ =	shalt  }
0x41: {  	_ =	shalt  }
0x42: {  	_ =	shalt  }
0x43: {  	_ =	shalt  }
0x44: {  	_ =	shalt  }
0x45: {  	_ =	shalt  }
0x46: {  	_ =	shalt  }
0x47: {  	_ =	shalt  }
0x48: {  	_ =	shalt  }
0x49: {  	_ =	shalt  }
0x4a: {  	_ =	shalt  }
0x4b: {  	_ =	shalt  }
0x4c: {  	_ =	shalt  }
0x4d: {  	_ =	shalt  }
0x4e: {  	_ =	shalt  }
0x4f: {  	_ =	shalt  }
0x50: {  	_ =	shalt  }
0x51: {  	_ =	shalt  }
0x52: {  	_ =	shalt  }
0x53: {  	_ =	shalt  }
0x54: {  	_ =	shalt  }
0x55: {  	_ =	shalt  }
0x56: {  	_ =	shalt  }
0x57: {  	_ =	shalt  }
0x58: {  	_ =	shalt  }
0x59: {  	_ =	shalt  }
0x5a: {  	_ =	shalt  }
0x5b: {  	_ =	shalt  }
0x5c: {  	_ =	shalt  }
0x5d: {  	_ =	shalt  }
0x5e: {  	_ =	shalt  }
0x5f: {  	_ =	shalt  }
0x60: {  	_ =	shalt  }
0x61: {  	_ =	shalt  }
0x62: {  	_ =	shalt  }
0x63: {  	_ =	shalt  }
0x64: {  	_ =	shalt  }
0x65: {  	_ =	shalt  }
0x66: {  	_ =	shalt  }
0x67: {  	_ =	shalt  }
0x68: {  	_ =	shalt  }
0x69: {  	_ =	shalt  }
0x6a: {  	_ =	shalt  }
0x6b: {  	_ =	shalt  }
0x6c: {  	_ =	shalt  }
0x6d: {  	_ =	shalt  }
0x6e: {  	_ =	shalt  }
0x6f: {  	_ =	shalt  }
0x70: {  	_ =	shalt  }
0x71: {  	_ =	shalt  }
0x72: {  	_ =	shalt  }
0x73: {  	_ =	shalt  }
0x74: {  	_ =	shalt  }
0x75: {  	_ =	shalt  }
0x76: {  	_ =	shalt  }
0x77: {  	_ =	shalt  }
0x78: {  	_ =	shalt  }
0x79: {  	_ =	shalt  }
0x7a: {  	_ =	shalt  }
0x7b: {  	_ =	shalt  }
0x7c: {  	_ =	shalt  }
0x7d: {  	_ =	shalt  }
0x7e: {  	_ =	shalt  }
0x7f: {  	_ =	shalt  }
0x80: {  	_ =	shalt  }
0x81: {  	_ =	shalt  }
0x82: {  	_ =	shalt  }
0x83: {  	_ =	shalt  }
0x84: {  	_ =	shalt  }
0x85: {  	_ =	shalt  }
0x86: {  	_ =	shalt  }
0x87: {  	_ =	shalt  }
.Lfunc_end0:
.L_simem_size_0:
called_computation.2_lowered:
.L_overlay_start_0:
0x88: {  	s2 =	sld [smem:$0x3FD9]  }
0x89: {  	s3 =	sld [smem:$0x3FFE];
	_ =	sdelay $0x1  }
0x8a: {  	s1 =	srdreg.scid  }
0x8b: {  	s0 =	sand.u32 $0x1, s1  }
0x8c: {  	s17 =	sshll.u32 s0, $0xA;
	s2 =	sadd.s32 s3, s2  }
0x8d: {  	s2 =	sadd.s32 s2, s17  }
0x8e: {  	[smem:$0x3FC0] =	sst s2  }
0x8f: {  	_ = 	snop  }
0x90: {  	s2 =	sld [smem:$0x3FD0];
	(tm) =	ssettm $0x1  }
0x91: {  	s18 =	sld [smem:$0x3FFB];
	_ =	sdelay $0x3  }
0x92: {  	_ =	strace s18  }
0x93: {  	s3 =	sld [smem:$0x3FFC];
	_ =	sdelay $0x3  }
0x94: {  	_ =	strace s3  }
0x95: {  	s3 =	sld [smem:$0x3FFD];
	_ =	sdelay $0x3  }
0x96: {  	_ =	strace s3  }
0x97: {  	_ =	strace $0x8FFFFFFF  }
0x98: {  	s19 =	sld [smem:$0x3FDB];
	_ =	sdelay $0x1  }
0x99: {  	s4 =	simm.s32 $_scs_section_size  }
0x9a: {  	s5 =	simm.s32 $_size__tile_overlayer_lowered;
	s6 =	simm.s32 $_tile_overlayer_lowered  }
0x9b: {  	s22 =	simm.s32 $0x1BFF;
	s21 =	sshll.u32 s6, $0x1;
	s3 =	sadd.s32 s4, s19  }
0x9c: {  	s7 =	simm.s32 $0x0;
	s20 =	sshll.u32 s5, $0x1;
	s5 =	sadd.s32 s21, s3  }
0x9d: {  	[timem:s7], [sflag:s22] =	dma.local [hbm:s5], s20  }
0x9e: {  	_ =	swait.ge [sflag:s22], s20  }
0x9f: {  	s4 =	ssub.s32 $0x0, s20;
	[sflag:s22] =	ssyncset.done $0x0  }
0xa0: {  	[sflag:s22] =	ssyncadd.s32 s4;
	_ =	sdelay $0x1  }
0xa1: {  	s23 =	simm.s32 $0x1B8B  }
0xa2: {  	_ =	swait.ge [sflag:s23], $0x1  }
0xa3: {  	[sflag:s23] =	ssyncset.done $0x0  }
0xa4: {  	s25 =	simm.s32 $0x1B8E;
	s24 =	sld [smem:$0x3FFE];
	[sflag:s23] =	ssyncadd.s32 $0xFFFFFFFF  }
0xa5: {  	s26 =	simm.s32 $execute0_lowered;
	[smem:$0x3FD2] =	sst s25  }
0xa6: {  	s5 =	sshll.u32 s26, $0x1;
	_ =	strace $0x8000004C;
	[dreg:$0x1] =	wrdreg $0xFFFFFFFF  }
0xa7: {  	s28 =	simm.s32 $_size_execute0_lowered;
	s3 =	sadd.s32 s3, s5;
	[dreg:$0x0] =	wrdreg $0x0  }
0xa8: {  	s5 =	sshll.u32 s28, $0x1;
	[dreg:$0x2] =	wrdreg s3  }
0xa9: {  	[dreg:$0x3] =	wrdreg s5  }
0xaa: {  	[dreg:$0x4] =	wrdreg $0xC0  }
0xab: {  	_ =	task [dreg:s7], $0x5FFFF  }
0xac: {  	[dreg:$0x1] =	wrdreg $0xFFFFFFFF  }
0xad: {  	[dreg:$0x0] =	wrdreg $0x60  }
0xae: {  	[dreg:$0x2] =	wrdreg s24  }
0xaf: {  	[dreg:$0x3] =	wrdreg s2  }
0xb0: {  	[dreg:$0x4] =	wrdreg $0xA0000  }
0xb1: {  	[dreg:$0x5] =	wrdreg $0x9  }
0xb2: {  	_ =	task.clear_ibuf [dreg:s7], $0x6FFFF;
	_ =	strace $0x9000004C  }
0xb3: {  	s29 =	simm.s32 $0x9;
	_ =	strace $0x8000004E  }
0xb4: {  	_ =	swait.ge [sflag:s29], $0x1  }
0xb5: {  	[sflag:s29] =	ssyncadd.s32 $0xFFFFFFFF  }
0xb6: {  	_ =	strace $0x9000004E  }
0xb7: {  	_ =	sfence  }
0xb8: {  	s30 =	sld [smem:$0x0];
	_ =	sdelay $0x2  }
0xb9: {  	s31 =	sshll.u32 s1, $0xD;
	s1 =	sshrl.u32 s1, $0x2  }
0xba: {  	s3 =	sand.u32 $0x4000, s31;
	s1 =	sadd.s32 s1, s30  }
0xbb: {  	s0 =	sor.u32 s3, s0;
	s1 =	sshll.u32 s1, $0x11  }
0xbc: {  	s0 =	sor.u32 s1, s0  }
0xbd: {  	s0 =	sadd.s32 $0x8F2B, s0  }
0xbe: {  	[sflag:s0] =	ssyncadd.remote.s32 $0x1  }
0xbf: {  	_ =	sfence.sel $0xFFFF  }
0xc0: {  	[dreg:$0x0] =	wrdreg $0xFFFFFFFF;
	(pc) =	sbr.abs _section_cstart, $3  }
0xc1: {  	[dreg:$0x1] =	wrdreg $0xFFFFFFFF  }
0xc2: {  	_ =	task.clear_ibuf [dreg:s7], $0x2FFFF;
	_ =	strace $0x9FFFFFFF  }
0xc3: {  	(tm) =	ssettm $0x7FFFFFFF  }
tec
execute0_lowered:
.L_overlay_start_1:
0x0: {  	(tag) =	ssettag $0x1  }
0x1: {  	s1 =	rddreg [dreg:$0x0]  }
0x2: {  	s7 =	rddreg [dreg:$0x1];
	s3 =	srdreg.scid  }
0x3: {  	s0 =	stileid.u32;
	s2 =	rddreg [dreg:$0x2]  }
0x4: {  	s25 =	simm.s32 $0x2;
	s26 =	simm.s32 $0x80;
	s28 =	simm.s32 $0x1  }
0x5: {  	s29 =	simm.s32 $0x0;
	s9 =	sand.u32 $0x1, s3;
	s4 =	sshll.u32 s0, $0x1  }
0x6: {  	s3 =	simm.s32 $0x0;
	s6 =	smul.u32 $0x50000, s0;
	s5 =	sadd.s32 $0x2E00, s1  }
0x7: {  	s20 =	smul.u32 $0x14000, s0;
	s4 =	sor.u32 s9, s4;
	[smem:$0x7FF] =	sst s3  }
0x8: {  	s11 =	ssub.s32 $0x2, s9;
	p0 =	seq.s32 s9, $0x0;
	s21 =	smul.u32 $0x140000, s9  }
0x9: {  	s8 =	smul.u32 $0x600, s4;
	_ =	strace $0x8000004D;
	s4 =	sadd.s32 $0x66E00, s1  }
0xa: {  	s12 =	sshrl.u32 s11, $0x1;
	s6 =	sshrl.u32 s6, $0x2;
	s16 =	sadd.s32 $0x4000, s20  }
0xb: {  	s18 =	sadd.s32 $0x8000, s20;
	s22 =	sadd.s32 $0xC000, s20;
	s24 =	sadd.s32 $0x10000, s20  }
0xc: {  	s11 =	ssub.s32 s11, s12;
	s6 =	sadd.s32 s6, s2;
	s15 =	sadd.s32 s21, s20  }
0xd: {  	s17 =	sadd.s32 s21, s16;
	s16 =	sadd.s32 s16, s2;
	s19 =	sadd.s32 s21, s18  }
0xe: {  	s18 =	sadd.s32 s18, s2;
	s23 =	sadd.s32 s21, s22;
	s20 =	sadd.s32 s22, s2  }
0xf: {  	s31 =	sadd.s32 s21, s24;
	s22 =	sadd.s32 s24, s2;
	s24 =	simm.s32 $0x6000  }
0x10: {  	s10 =	sadd.s32 s8, s1;
	s1 =	sadd.s32 $0xD6400, s1;
	s7 =	sadd.s32 s7, s8  }
0x11: {  	s8 =	simm.s32 $0x5C;
	s12 =	sadd.s32 $0x8000, s6;
	s13 =	sadd.s32 $0xC000, s6  }
0x12: {  	s14 =	sadd.s32 $0x10000, s6;
	s15 =	sshrl.u32 s15, $0x3;
	s17 =	sshrl.u32 s17, $0x3  }
0x13: {  	s19 =	sshrl.u32 s19, $0x3;
	s30 =	sshrl.u32 s23, $0x3;
	s23 =	sshrl.u32 s31, $0x3  }
0x14: {  	s9 =	sadd.s32 $0xCA400, s10;
	s8 =	simm.s32 @!p0 $0x41;
	s10 =	smax.u32 s11, $0x1  }
0x15: {  	s11 =	sadd.s32 $0x4000, s6;
	s15 =	sadd.s32 s1, s15;
	s17 =	sadd.s32 s1, s17  }
0x16: {  	s19 =	sadd.s32 s1, s19;
	s21 =	sadd.s32 s1, s30;
	s23 =	sadd.s32 s1, s23  }
.LBB2_1:
0x17: {  	[tilespmem:s24], [sflag:$0x2] =	stream.linear.gather [hbm4b:s5+s3], $0x4000, $0x38;
	[tilespmem:$0x1E000] =	vst v63  }
0x18: {  	_ =	swait.ge [sflag:s25], $0x4000  }
0x19: {  	[sflag:s25] =	ssyncset.done $0x0  }
0x1a: {  	[sflag:s25] =	ssyncadd.s32 $0xFFFFC000  }
0x1b: {  	[spmem:s6] =	stream.linear.scatter [tilespmem:s24], [sflag:$0x2], $0x4000, $0x38;
	[tilespmem:$0x1E000] =	vst v63  }
0x1c: {  	_ =	swait.ge [sflag:s25], $0x4000  }
0x1d: {  	[sflag:s25] =	ssyncset.done $0x0  }
0x1e: {  	[sflag:s25] =	ssyncadd.s32 $0xFFFFC000  }
0x1f: {  	[spmem:s11] =	stream.linear.scatter [tilespmem:s24], [sflag:$0x2], $0x4000, $0x38;
	[tilespmem:$0x1E000] =	vst v63  }
0x20: {  	_ =	swait.ge [sflag:s25], $0x4000  }
0x21: {  	[sflag:s25] =	ssyncset.done $0x0  }
0x22: {  	[sflag:s25] =	ssyncadd.s32 $0xFFFFC000  }
0x23: {  	[spmem:s12] =	stream.linear.scatter [tilespmem:s24], [sflag:$0x2], $0x4000, $0x38;
	[tilespmem:$0x1E000] =	vst v63  }
0x24: {  	_ =	swait.ge [sflag:s25], $0x4000  }
0x25: {  	[sflag:s25] =	ssyncset.done $0x0  }
0x26: {  	[sflag:s25] =	ssyncadd.s32 $0xFFFFC000  }
0x27: {  	[spmem:s13] =	stream.linear.scatter [tilespmem:s24], [sflag:$0x2], $0x4000, $0x38;
	[tilespmem:$0x1E000] =	vst v63  }
0x28: {  	_ =	swait.ge [sflag:s25], $0x4000  }
0x29: {  	[sflag:s25] =	ssyncset.done $0x0  }
0x2a: {  	[sflag:s25] =	ssyncadd.s32 $0xFFFFC000  }
0x2b: {  	[spmem:s14] =	stream.linear.scatter [tilespmem:s24], [sflag:$0x2], $0x4000, $0x38;
	[tilespmem:$0x1E000] =	vst v63  }
0x2c: {  	_ =	swait.ge [sflag:s25], $0x4000  }
0x2d: {  	[sflag:s25] =	ssyncset.done $0x0  }
0x2e: {  	[sflag:s25] =	ssyncadd.s32 $0xFFFFC000  }
0x2f: {  	[tilespmem:s3], [sflag:$0x2] =	stream.linear.gather [hbm4b:s7+s3], $0x2E00, $0x38;
	[tilespmem:$0x1E000] =	vst v63  }
0x30: {  	_ =	swait.ge [sflag:s25], $0x2E00  }
0x31: {  	[sflag:s25] =	ssyncset.done $0x0  }
0x32: {  	s30 =	simm.s32 $0x3000;
	[sflag:s25] =	ssyncadd.s32 $0xFFFFD200  }
0x33: {  	[tilespmem:s30], [sflag:$0x2] =	stream.linear.gather [hbm4b:s9+s3], $0x2E00, $0x38;
	[tilespmem:$0x1E000] =	vst v63  }
0x34: {  	_ =	swait.ge [sflag:s25], $0x2E00  }
0x35: {  	[sflag:s25] =	ssyncset.done $0x0  }
0x36: {  	[sflag:s25] =	ssyncadd.s32 $0xFFFFD200  }
0x37: {  	[bflag:$0x0] =	sbarrier.arrive $0xFFFF  }
0x38: {  	[tilespmem:s24], [sflag:$0x1] =	stream.indirect.gather [hbm4b:s4+s26], $0x80, s3, s26, $0xb8;
	[tilespmem:$0x1E000] =	vst v63  }
0x39: {  	p0 =	sne.s32 s8, $0x1;
	_ =	swait.ge [sflag:s28], $0x4000  }
.Ltmp0:
0x3a: {  	[sflag:s28] =	ssyncset.done $0x0;
	(pc) =	sbr.rel @!p0 .LBB2_3-.Ltmp0, $4  }
0x3b: {  	[sflag:s28] =	ssyncadd.s32 $0xFFFFC000  }
0x3c: {  	[spmem:s2] =	stream.indirect.scatter.add.f32 [tilespmem:s24], [sflag:$0x2], $0x80, s30, s26, $0xb8;
	[tilespmem:$0x1E000] =	vst v63  }
0x3d: {  	_ =	swait.ge [sflag:s25], $0x4000  }
0x3e: {  	s31 =	sadd.s32 $0xFFFFFFFF, s8;
	s1 =	simm.s32 $0x0;
	[sflag:s25] =	ssyncset.done $0x0  }
.LBB2_2:
0x3f: {  	[sflag:s25] =	ssyncadd.s32 $0xFFFFC000;
	s1 =	sadd.s32 $0x80, s1;
	s30 =	sadd.s32 $0x80, s30  }
0x40: {  	[tilespmem:s24], [sflag:$0x1] =	stream.indirect.gather [hbm4b:s4+s26], $0x80, s1, s26, $0xb8;
	[tilespmem:$0x1E000] =	vst v63  }
0x41: {  	p0 =	sne.s32 s31, $0x1;
	s31 =	sadd.s32 $0xFFFFFFFF, s31;
	_ =	swait.ge [sflag:s28], $0x4000  }
.Ltmp1:
0x42: {  	[sflag:s28] =	ssyncset.done $0x0;
	(pc) =	sbr.rel @p0 .LBB2_2-.Ltmp1, $4  }
0x43: {  	[sflag:s28] =	ssyncadd.s32 $0xFFFFC000  }
0x44: {  	[spmem:s2] =	stream.indirect.scatter.add.f32 [tilespmem:s24], [sflag:$0x2], $0x80, s30, s26, $0xb8;
	[tilespmem:$0x1E000] =	vst v63  }
0x45: {  	_ =	swait.ge [sflag:s25], $0x4000  }
0x46: {  	[sflag:s25] =	ssyncset.done $0x0  }
.LBB2_3:
0x47: {  	[sflag:s25] =	ssyncadd.s32 $0xFFFFC000  }
0x48: {  	[bflag:$0x0] =	sbarrier.arrive $0xFFFF  }
0x49: {  	[tilespmem:s24], [sflag:$0x2] =	stream.linear.gather [spmem:s6], $0x4000, $0x38;
	[tilespmem:$0x1E000] =	vst v63  }
0x4a: {  	_ =	swait.ge [sflag:s25], $0x4000  }
0x4b: {  	[sflag:s25] =	ssyncset.done $0x0  }
0x4c: {  	[sflag:s25] =	ssyncadd.s32 $0xFFFFC000  }
0x4d: {  	[hbm4b:s15+s3] =	stream.linear.scatter [tilespmem:s24], [sflag:$0x2], $0x4000, $0x38;
	[tilespmem:$0x1E000] =	vst v63  }
0x4e: {  	_ =	swait.ge [sflag:s25], $0x4000  }
0x4f: {  	[sflag:s25] =	ssyncset.done $0x0  }
0x50: {  	[sflag:s25] =	ssyncadd.s32 $0xFFFFC000  }
0x51: {  	[tilespmem:s24], [sflag:$0x2] =	stream.linear.gather [spmem:s16], $0x4000, $0x38;
	[tilespmem:$0x1E000] =	vst v63  }
0x52: {  	_ =	swait.ge [sflag:s25], $0x4000  }
0x53: {  	[sflag:s25] =	ssyncset.done $0x0  }
0x54: {  	[sflag:s25] =	ssyncadd.s32 $0xFFFFC000  }
0x55: {  	[hbm4b:s17+s3] =	stream.linear.scatter [tilespmem:s24], [sflag:$0x2], $0x4000, $0x38;
	[tilespmem:$0x1E000] =	vst v63  }
0x56: {  	_ =	swait.ge [sflag:s25], $0x4000  }
0x57: {  	[sflag:s25] =	ssyncset.done $0x0  }
0x58: {  	[sflag:s25] =	ssyncadd.s32 $0xFFFFC000  }
0x59: {  	[tilespmem:s24], [sflag:$0x2] =	stream.linear.gather [spmem:s18], $0x4000, $0x38;
	[tilespmem:$0x1E000] =	vst v63  }
0x5a: {  	_ =	swait.ge [sflag:s25], $0x4000  }
0x5b: {  	[sflag:s25] =	ssyncset.done $0x0  }
0x5c: {  	[sflag:s25] =	ssyncadd.s32 $0xFFFFC000  }
0x5d: {  	[hbm4b:s19+s3] =	stream.linear.scatter [tilespmem:s24], [sflag:$0x2], $0x4000, $0x38;
	[tilespmem:$0x1E000] =	vst v63  }
0x5e: {  	_ =	swait.ge [sflag:s25], $0x4000  }
0x5f: {  	[sflag:s25] =	ssyncset.done $0x0  }
0x60: {  	[sflag:s25] =	ssyncadd.s32 $0xFFFFC000  }
0x61: {  	[tilespmem:s24], [sflag:$0x2] =	stream.linear.gather [spmem:s20], $0x4000, $0x38;
	[tilespmem:$0x1E000] =	vst v63  }
0x62: {  	_ =	swait.ge [sflag:s25], $0x4000  }
0x63: {  	[sflag:s25] =	ssyncset.done $0x0  }
0x64: {  	[sflag:s25] =	ssyncadd.s32 $0xFFFFC000  }
0x65: {  	[hbm4b:s21+s3] =	stream.linear.scatter [tilespmem:s24], [sflag:$0x2], $0x4000, $0x38;
	[tilespmem:$0x1E000] =	vst v63  }
0x66: {  	_ =	swait.ge [sflag:s25], $0x4000  }
0x67: {  	[sflag:s25] =	ssyncset.done $0x0  }
0x68: {  	[sflag:s25] =	ssyncadd.s32 $0xFFFFC000  }
0x69: {  	[tilespmem:s24], [sflag:$0x2] =	stream.linear.gather [spmem:s22], $0x4000, $0x38;
	[tilespmem:$0x1E000] =	vst v63  }
0x6a: {  	s29 =	sadd.s32 $0x1, s29;
	_ =	swait.ge [sflag:s25], $0x4000  }
0x6b: {  	p0 =	sne.s32 s29, s10;
	[sflag:s25] =	ssyncset.done $0x0  }
.Ltmp2:
0x6c: {  	[sflag:s25] =	ssyncadd.s32 $0xFFFFC000;
	(pc) =	sbr.rel @p0 .LBB2_1-.Ltmp2, $4  }
0x6d: {  	[hbm4b:s23+s3] =	stream.linear.scatter [tilespmem:s24], [sflag:$0x2], $0x4000, $0x38;
	[tilespmem:$0x1E000] =	vst v63  }
0x6e: {  	_ =	swait.ge [sflag:s25], $0x4000  }
0x6f: {  	[sflag:s25] =	ssyncset.done $0x0  }
0x70: {  	[sflag:s25] =	ssyncadd.s32 $0xFFFFC000  }
0x71: {  	_ =	sfence.sel $0x180000  }
0x72: {  	[bflag:$0x0] =	sbarrier.arrive $0xFFFF  }
0x73: {  	_ =	strace $0x9000004D  }
0x74: {  	[bflag:$0x2] =	sbarrier.arrive $0xFFFF  }
0x75: {  	p0 =	sne.s32 s0, $0x0;
	s0 =	rddreg [dreg:$0x3]  }
0x76: {  	s0 =	sadd.s32 @!p0 $0x100000, s0  }
0x77: {  	[sflag:s0] =	ssyncadd.tile.s32 @!p0 $0x1;
	_ =	shalt  }
.Lfunc_end2:
_tile_overlayer_lowered:
.L_overlay_start_2:
0x78: {  	(tag) =	ssettag $0x2  }
0x79: {  	s0 =	rddreg [dreg:$0x0];
	s2 =	stileid.u32  }
0x7a: {  	s1 =	rddreg [dreg:$0x1];
	p0 =	sne.s32 s2, $0x0  }
0x7b: {  	s3 =	rddreg [dreg:$0x2];
	[bflag:$0x3] =	sbarrier.arrive $0xFFFF;
	s2 =	simm.s32 @!p0 $0x1C02  }
0x7c: {  	[timem:s3], [sflag:s2] =	dma.local @!p0 [hbm:s0], s1  }
0x7d: {  	s0 =	simm.s32 @!p0 $0x2  }
0x7e: {  	_ =	swait.ge @!p0 [sflag:s0], s1  }
0x7f: {  	s1 =	ssub.s32 @!p0 $0x0, s1;
	[sflag:s0] =	ssyncset.done @!p0 $0x0  }
0x80: {  	[sflag:s0] =	ssyncadd.s32 @!p0 s1  }
0x81: {  	[bflag:$0x3] =	sbarrier.arrive $0xFFFF  }
0x82: {  	_ =	shalt  }

// kernel: kernel.8.cloned.1.call-start
scs
__scs_entry_jumppad:
0x0: {  	(pc) =	sbr.rel $0x88, $3  }
0x1: {  	(tag) =	ssettag $0x0;
	lr =	simm.s32 $0x1  }
0x2: {  	[smem:$0x3F99] =	sst lr;
	_ =	strace $0xD0000000  }
0x3: {  	_ = 	snop  }
0x4: {  	_ = 	snop  }
0x5: {  	_ = 	snop  }
0x6: {  	_ = 	snop  }
0x7: {  	_ = 	snop  }
__scs_overlays_trampoline_lowered:
0x8: {  	[smem:$0x3FA8] =	sst s0  }
0x9: {  	[smem:$0x3FA9] =	sst s1  }
0xa: {  	[smem:$0x3FAA] =	sst s2  }
0xb: {  	[smem:$0x3FAB] =	sst s3  }
0xc: {  	[smem:$0x3FAC] =	sst s4  }
0xd: {  	[smem:$0x3FAD] =	sst s5  }
0xe: {  	[smem:$0x3FAE] =	sst s6  }
0xf: {  	[smem:$0x3FAF] =	sst s7  }
0x10: {  	[smem:$0x3FB0] =	sst s8  }
0x11: {  	[smem:$0x3FB1] =	sst s9;
	s0 =	simm.s32 @!p0 $0x0  }
0x12: {  	s1 =	sld [smem:$0x3F97];
	s0 =	simm.s32 @p0 $0x1  }
0x13: {  	[smem:$0x3FB2] =	sst s0;
	s0 =	simm.s32 @!p1 $0x0  }
0x14: {  	s2 =	sld [smem:$0x3F96];
	s0 =	simm.s32 @p1 $0x1  }
0x15: {  	[smem:$0x3FB3] =	sst s0;
	s0 =	simm.s32 @!p2 $0x0  }
0x16: {  	s3 =	sld [smem:$0x3FDB];
	s0 =	simm.s32 @p2 $0x1  }
0x17: {  	s4 =	simm.s32 $0x1BF5;
	[smem:$0x3FB5] =	sst s0  }
0x18: {  	s0 =	sld [smem:$0x3F98];
	_ =	swait.ge [sflag:s4], $0x0  }
0x19: {  	s7 =	sld [smem:$0x3F99]  }
0x1a: {  	s8 =	sadd.s32 $0xFFFFE003, lr  }
0x1b: {  	s9 =	sadd.s32 $0xFFFFFEF7, lr;
	s5 =	simm.s32 $0xFFFFFFFF;
	p2 =	slt.u32 s8, $0xFFFFF086  }
0x1c: {  	p1 =	slt.u32 s9, $0xF7A;
	s5 =	simm.s32 @!p2 $0x0  }
0x1d: {  	s5 =	simm.s32 @p1 $0x1;
	p0 =	seq.s32 s7, s2  }
0x1e: {  	s7 =	smul.u32 @!p0 $0xF7A, s2;
	p2 =	seq.s32 @!p0 s5, $0x0  }
0x1f: {  	s9 =	smul.u32 $0xF7A, s1;
	s8 =	simm.s32 @!p0 $0x1BF5;
	p2 =	por !p2, p0  }
0x20: {  	[sflag:s8] =	ssyncset.s32 @!p0 $0xFFFFF086;
	s6 =	sadd.s32 @!p0 s3, s7;
	s7 =	simm.s32 @!p0 $0x108  }
0x21: {  	s3 =	sadd.s32 s3, s9;
	s6 =	sadd.s32 @!p0 $0x88, s6;
	s7 =	simm.s32 @p2 $0x1082  }
0x22: {  	[simem:s7], [sflag:s8] =	dma.local @!p0 [hbm:s6], $0xF7A  }
0x23: {  	s9 =	sor.u32 $0xD0000000, s2;
	s6 =	simm.s32 $0x108;
	_ =	swait.ge @!p0 [sflag:s8], $0x0  }
0x24: {  	s3 =	sadd.s32 $0x88, s3;
	s6 =	simm.s32 @!p1 $0x1082;
	[sflag:s4] =	ssyncset.s32 $0xFFFFF086  }
0x25: {  	[simem:s6], [sflag:s4] =	dma.local [hbm:s3], $0xF7A  }
0x26: {  	[smem:$0x3F99] =	sst s1;
	(tag) =	ssettag s2;
	_ =	strace s9  }
0x27: {  	s1 =	sld [smem:$0x3FA9]  }
0x28: {  	s2 =	sld [smem:$0x3FAA]  }
0x29: {  	s4 =	sld [smem:$0x3FAC]  }
0x2a: {  	p0 =	seq.s32 s5, $0x0;
	s5 =	sld [smem:$0x3FAD]  }
0x2b: {  	s6 =	sld [smem:$0x3FAE]  }
0x2c: {  	s7 =	sld [smem:$0x3FAF]  }
0x2d: {  	s3 =	simm.s32 $0x108;
	s8 =	sld [smem:$0x3FB0]  }
0x2e: {  	s3 =	simm.s32 @!p0 $0x1082;
	s9 =	sld [smem:$0x3FB1]  }
0x2f: {  	lr =	sadd.s32 s0, s3;
	s0 =	sld [smem:$0x3FA8]  }
0x30: {  	s3 =	sld [smem:$0x3FAB]  }
0x31: {  	[smem:$0x3FB4] =	sst s10  }
0x32: {  	s10 =	sld [smem:$0x3FB2];
	_ =	sdelay $0x3  }
0x33: {  	p0 =	seq.s32 s10, $0x1;
	s10 =	sld [smem:$0x3FB4];
	_ =	sdelay $0x3  }
0x34: {  	[smem:$0x3FB4] =	sst s10  }
0x35: {  	s10 =	sld [smem:$0x3FB3];
	_ =	sdelay $0x3  }
0x36: {  	p1 =	seq.s32 s10, $0x1;
	s10 =	sld [smem:$0x3FB4];
	_ =	sdelay $0x3  }
0x37: {  	[smem:$0x3FB4] =	sst s10  }
0x38: {  	s10 =	sld [smem:$0x3FB5]  }
0x39: {  	_ = 	snop;
	(pc) =	sbr.ind lr, $3  }
0x3a: {  	_ = 	snop  }
0x3b: {  	_ = 	snop  }
0x3c: {  	p2 =	seq.s32 s10, $0x1;
	s10 =	sld [smem:$0x3FB4]  }
0x3d: {  	_ =	shalt  }
0x3e: {  	_ =	shalt  }
0x3f: {  	_ =	shalt  }
0x40: {  	_ =	shalt  }
0x41: {  	_ =	shalt  }
0x42: {  	_ =	shalt  }
0x43: {  	_ =	shalt  }
0x44: {  	_ =	shalt  }
0x45: {  	_ =	shalt  }
0x46: {  	_ =	shalt  }
0x47: {  	_ =	shalt  }
0x48: {  	_ =	shalt  }
0x49: {  	_ =	shalt  }
0x4a: {  	_ =	shalt  }
0x4b: {  	_ =	shalt  }
0x4c: {  	_ =	shalt  }
0x4d: {  	_ =	shalt  }
0x4e: {  	_ =	shalt  }
0x4f: {  	_ =	shalt  }
0x50: {  	_ =	shalt  }
0x51: {  	_ =	shalt  }
0x52: {  	_ =	shalt  }
0x53: {  	_ =	shalt  }
0x54: {  	_ =	shalt  }
0x55: {  	_ =	shalt  }
0x56: {  	_ =	shalt  }
0x57: {  	_ =	shalt  }
0x58: {  	_ =	shalt  }
0x59: {  	_ =	shalt  }
0x5a: {  	_ =	shalt  }
0x5b: {  	_ =	shalt  }
0x5c: {  	_ =	shalt  }
0x5d: {  	_ =	shalt  }
0x5e: {  	_ =	shalt  }
0x5f: {  	_ =	shalt  }
0x60: {  	_ =	shalt  }
0x61: {  	_ =	shalt  }
0x62: {  	_ =	shalt  }
0x63: {  	_ =	shalt  }
0x64: {  	_ =	shalt  }
0x65: {  	_ =	shalt  }
0x66: {  	_ =	shalt  }
0x67: {  	_ =	shalt  }
0x68: {  	_ =	shalt  }
0x69: {  	_ =	shalt  }
0x6a: {  	_ =	shalt  }
0x6b: {  	_ =	shalt  }
0x6c: {  	_ =	shalt  }
0x6d: {  	_ =	shalt  }
0x6e: {  	_ =	shalt  }
0x6f: {  	_ =	shalt  }
0x70: {  	_ =	shalt  }
0x71: {  	_ =	shalt  }
0x72: {  	_ =	shalt  }
0x73: {  	_ =	shalt  }
0x74: {  	_ =	shalt  }
0x75: {  	_ =	shalt  }
0x76: {  	_ =	shalt  }
0x77: {  	_ =	shalt  }
0x78: {  	_ =	shalt  }
0x79: {  	_ =	shalt  }
0x7a: {  	_ =	shalt  }
0x7b: {  	_ =	shalt  }
0x7c: {  	_ =	shalt  }
0x7d: {  	_ =	shalt  }
0x7e: {  	_ =	shalt  }
0x7f: {  	_ =	shalt  }
0x80: {  	_ =	shalt  }
0x81: {  	_ =	shalt  }
0x82: {  	_ =	shalt  }
0x83: {  	_ =	shalt  }
0x84: {  	_ =	shalt  }
0x85: {  	_ =	shalt  }
0x86: {  	_ =	shalt  }
0x87: {  	_ =	shalt  }
.Lfunc_end0:
.L_simem_size_0:
called_computation_lowered:
.L_overlay_start_0:
0x88: {  	s2 =	sld [smem:$0x3FD9]  }
0x89: {  	s3 =	sld [smem:$0x3FFE];
	_ =	sdelay $0x1  }
0x8a: {  	s1 =	srdreg.scid  }
0x8b: {  	s0 =	sand.u32 $0x1, s1  }
0x8c: {  	s17 =	sshll.u32 s0, $0xA;
	s2 =	sadd.s32 s3, s2  }
0x8d: {  	s2 =	sadd.s32 s2, s17  }
0x8e: {  	[smem:$0x3FC0] =	sst s2  }
0x8f: {  	_ = 	snop  }
0x90: {  	s2 =	sld [smem:$0x3FD0];
	(tm) =	ssettm $0x1  }
0x91: {  	s18 =	sld [smem:$0x3FFB];
	_ =	sdelay $0x3  }
0x92: {  	_ =	strace s18  }
0x93: {  	s3 =	sld [smem:$0x3FFC];
	_ =	sdelay $0x3  }
0x94: {  	_ =	strace s3  }
0x95: {  	s3 =	sld [smem:$0x3FFD];
	_ =	sdelay $0x3  }
0x96: {  	_ =	strace s3  }
0x97: {  	_ =	strace $0x8FFFFFFF  }
0x98: {  	s19 =	sld [smem:$0x3FDB];
	_ =	sdelay $0x1  }
0x99: {  	s4 =	simm.s32 $_scs_section_size  }
0x9a: {  	s5 =	simm.s32 $_size__tile_overlayer_lowered;
	s6 =	simm.s32 $_tile_overlayer_lowered  }
0x9b: {  	s22 =	simm.s32 $0x1BFF;
	s21 =	sshll.u32 s6, $0x1;
	s3 =	sadd.s32 s4, s19  }
0x9c: {  	s7 =	simm.s32 $0x0;
	s20 =	sshll.u32 s5, $0x1;
	s5 =	sadd.s32 s21, s3  }
0x9d: {  	[timem:s7], [sflag:s22] =	dma.local [hbm:s5], s20  }
0x9e: {  	_ =	swait.ge [sflag:s22], s20  }
0x9f: {  	s4 =	ssub.s32 $0x0, s20;
	[sflag:s22] =	ssyncset.done $0x0  }
0xa0: {  	[sflag:s22] =	ssyncadd.s32 s4;
	_ =	sdelay $0x1  }
0xa1: {  	s23 =	simm.s32 $0x1B8B  }
0xa2: {  	_ =	swait.ge [sflag:s23], $0x1  }
0xa3: {  	[sflag:s23] =	ssyncset.done $0x0  }
0xa4: {  	s25 =	simm.s32 $0x1B8E;
	s24 =	sld [smem:$0x3FFE];
	[sflag:s23] =	ssyncadd.s32 $0xFFFFFFFF  }
0xa5: {  	s26 =	simm.s32 $execute0_lowered;
	[smem:$0x3FD2] =	sst s25  }
0xa6: {  	s5 =	sshll.u32 s26, $0x1;
	_ =	strace $0x80000046;
	[dreg:$0x1] =	wrdreg $0xFFFFFFFF  }
0xa7: {  	s28 =	simm.s32 $_size_execute0_lowered;
	s3 =	sadd.s32 s3, s5;
	[dreg:$0x0] =	wrdreg $0x0  }
0xa8: {  	s5 =	sshll.u32 s28, $0x1;
	[dreg:$0x2] =	wrdreg s3  }
0xa9: {  	[dreg:$0x3] =	wrdreg s5  }
0xaa: {  	[dreg:$0x4] =	wrdreg $0xC0  }
0xab: {  	_ =	task [dreg:s7], $0x5FFFF  }
0xac: {  	[dreg:$0x1] =	wrdreg $0xFFFFFFFF  }
0xad: {  	[dreg:$0x0] =	wrdreg $0x60  }
0xae: {  	[dreg:$0x2] =	wrdreg s24  }
0xaf: {  	[dreg:$0x3] =	wrdreg s2  }
0xb0: {  	[dreg:$0x4] =	wrdreg $0x37800  }
0xb1: {  	[dreg:$0x5] =	wrdreg $0x9  }
0xb2: {  	_ =	task.clear_ibuf [dreg:s7], $0x6FFFF;
	_ =	strace $0x90000046  }
0xb3: {  	s29 =	simm.s32 $0x9;
	_ =	strace $0x80000048  }
0xb4: {  	_ =	swait.ge [sflag:s29], $0x1  }
0xb5: {  	[sflag:s29] =	ssyncadd.s32 $0xFFFFFFFF  }
0xb6: {  	_ =	strace $0x90000048  }
0xb7: {  	_ =	sfence  }
0xb8: {  	s30 =	sld [smem:$0x0];
	_ =	sdelay $0x2  }
0xb9: {  	s31 =	sshll.u32 s1, $0xD;
	s1 =	sshrl.u32 s1, $0x2  }
0xba: {  	s3 =	sand.u32 $0x4000, s31;
	s1 =	sadd.s32 s1, s30  }
0xbb: {  	s0 =	sor.u32 s3, s0;
	s1 =	sshll.u32 s1, $0x11  }
0xbc: {  	s0 =	sor.u32 s1, s0  }
0xbd: {  	s0 =	sadd.s32 $0x8F2B, s0  }
0xbe: {  	[sflag:s0] =	ssyncadd.remote.s32 $0x1  }
0xbf: {  	_ =	sfence.sel $0xFFFF  }
0xc0: {  	[dreg:$0x0] =	wrdreg $0xFFFFFFFF;
	(pc) =	sbr.abs _section_cstart, $3  }
0xc1: {  	[dreg:$0x1] =	wrdreg $0xFFFFFFFF  }
0xc2: {  	_ =	task.clear_ibuf [dreg:s7], $0x2FFFF;
	_ =	strace $0x9FFFFFFF  }
0xc3: {  	(tm) =	ssettm $0x7FFFFFFF  }
tec
execute0_lowered:
.L_overlay_start_1:
0x0: {  	(tag) =	ssettag $0x1  }
0x1: {  	s5 =	rddreg [dreg:$0x0]  }
0x2: {  	s22 =	rddreg [dreg:$0x1];
	s1 =	srdreg.scid  }
0x3: {  	s0 =	stileid.u32;
	s2 =	rddreg [dreg:$0x2]  }
0x4: {  	s3 =	simm.s32 $0x0;
	s25 =	simm.s32 $0x2F80;
	s26 =	simm.s32 $0x80  }
0x5: {  	s28 =	simm.s32 $0x0;
	s8 =	sand.u32 $0x1, s1;
	s6 =	smul.u32 $0xA000, s0  }
0x6: {  	s4 =	sshll.u32 s0, $0x1;
	s1 =	rddreg [dreg:$0x3];
	s19 =	smul.u32 $0x2800, s0  }
0x7: {  	[smem:$0x7FF] =	sst s3;
	s4 =	sor.u32 s8, s4;
	s20 =	smul.u32 $0x28000, s8  }
0x8: {  	_ =	strace $0x80000047;
	s9 =	ssub.s32 $0x2, s8;
	s4 =	smul.u32 $0x4F0, s4  }
0x9: {  	s10 =	sshrl.u32 s9, $0x1;
	s6 =	sshrl.u32 s6, $0x2;
	s8 =	sadd.s32 s19, s2  }
0xa: {  	s15 =	sadd.s32 $0x800, s19;
	s17 =	sadd.s32 $0x1000, s19;
	s21 =	sadd.s32 $0x1800, s19  }
0xb: {  	s24 =	sadd.s32 $0x2000, s19;
	s9 =	ssub.s32 s9, s10;
	s6 =	sadd.s32 s6, s2  }
0xc: {  	s14 =	sadd.s32 s20, s19;
	s16 =	sadd.s32 s20, s15;
	s15 =	sadd.s32 s15, s2  }
0xd: {  	s18 =	sadd.s32 s20, s17;
	s17 =	sadd.s32 s17, s2;
	s23 =	sadd.s32 s20, s21  }
0xe: {  	s19 =	sadd.s32 s21, s2;
	s31 =	sadd.s32 s20, s24;
	s21 =	sadd.s32 s24, s2  }
0xf: {  	s24 =	simm.s32 $0x1;
	s7 =	sadd.s32 s4, s5;
	s4 =	sadd.s32 $0xCE00, s5  }
0x10: {  	s5 =	sadd.s32 $0x2E00, s5;
	s9 =	smax.u32 s9, $0x1;
	s10 =	sadd.s32 $0x800, s6  }
0x11: {  	s11 =	sadd.s32 $0x1000, s6;
	s12 =	sadd.s32 $0x1800, s6;
	s13 =	sadd.s32 $0x2000, s6  }
0x12: {  	s14 =	sshrl.u32 s14, $0x3;
	s16 =	sshrl.u32 s16, $0x3;
	s18 =	sshrl.u32 s18, $0x3  }
0x13: {  	s30 =	sshrl.u32 s23, $0x3;
	s23 =	sshrl.u32 s31, $0x3;
	s7 =	sadd.s32 $0x3000, s7  }
0x14: {  	s14 =	sadd.s32 s22, s14;
	s16 =	sadd.s32 s22, s16;
	s18 =	sadd.s32 s22, s18  }
0x15: {  	s20 =	sadd.s32 s22, s30;
	s22 =	sadd.s32 s22, s23;
	s23 =	simm.s32 $0x2780  }
.LBB2_1:
0x16: {  	[tilespmem:s23], [sflag:$0x1] =	stream.linear.gather [hbm4b:s4+s3], $0x800, $0x38;
	[tilespmem:$0x5F80] =	vst v63  }
0x17: {  	_ =	swait.ge [sflag:s24], $0x800  }
0x18: {  	[sflag:s24] =	ssyncset.done $0x0  }
0x19: {  	[sflag:s24] =	ssyncadd.s32 $0xFFFFF800  }
0x1a: {  	[tilespmem:s25], [sflag:$0x1] =	stream.linear.gather [hbm4b:s5+s3], $0x800, $0x38;
	[tilespmem:$0x5F80] =	vst v63  }
0x1b: {  	_ =	swait.ge [sflag:s24], $0x800  }
0x1c: {  	[sflag:s24] =	ssyncset.done $0x0  }
0x1d: {  	[sflag:s24] =	ssyncadd.s32 $0xFFFFF800  }
0x1e: {  	[spmem:s6] =	stream.linear.scatter [tilespmem:s23], [sflag:$0x1], $0x800, $0x38;
	[tilespmem:$0x5F80] =	vst v63  }
0x1f: {  	_ =	swait.ge [sflag:s24], $0x800  }
0x20: {  	[sflag:s24] =	ssyncset.done $0x0  }
0x21: {  	[sflag:s24] =	ssyncadd.s32 $0xFFFFF800  }
0x22: {  	[spmem:s10] =	stream.linear.scatter [tilespmem:s23], [sflag:$0x1], $0x800, $0x38;
	[tilespmem:$0x5F80] =	vst v63  }
0x23: {  	_ =	swait.ge [sflag:s24], $0x800  }
0x24: {  	[sflag:s24] =	ssyncset.done $0x0  }
0x25: {  	[sflag:s24] =	ssyncadd.s32 $0xFFFFF800  }
0x26: {  	[spmem:s11] =	stream.linear.scatter [tilespmem:s23], [sflag:$0x1], $0x800, $0x38;
	[tilespmem:$0x5F80] =	vst v63  }
0x27: {  	_ =	swait.ge [sflag:s24], $0x800  }
0x28: {  	[sflag:s24] =	ssyncset.done $0x0  }
0x29: {  	[sflag:s24] =	ssyncadd.s32 $0xFFFFF800  }
0x2a: {  	[spmem:s12] =	stream.linear.scatter [tilespmem:s23], [sflag:$0x1], $0x800, $0x38;
	[tilespmem:$0x5F80] =	vst v63  }
0x2b: {  	_ =	swait.ge [sflag:s24], $0x800  }
0x2c: {  	[sflag:s24] =	ssyncset.done $0x0  }
0x2d: {  	[sflag:s24] =	ssyncadd.s32 $0xFFFFF800  }
0x2e: {  	[spmem:s13] =	stream.linear.scatter [tilespmem:s23], [sflag:$0x1], $0x800, $0x38;
	[tilespmem:$0x5F80] =	vst v63  }
0x2f: {  	_ =	swait.ge [sflag:s24], $0x800  }
0x30: {  	[sflag:s24] =	ssyncset.done $0x0  }
0x31: {  	[sflag:s24] =	ssyncadd.s32 $0xFFFFF800  }
0x32: {  	[tilespmem:s3], [sflag:$0x1] =	stream.linear.gather [hbm4b:s7+s3], $0x2780, $0x38;
	[tilespmem:$0x5F80] =	vst v63  }
0x33: {  	_ =	swait.ge [sflag:s24], $0x2780  }
0x34: {  	[sflag:s24] =	ssyncset.done $0x0  }
0x35: {  	[sflag:s24] =	ssyncadd.s32 $0xFFFFD880  }
0x36: {  	s29 =	simm.s32 $0x0;
	[bflag:$0x0] =	sbarrier.arrive $0xFFFF  }
0x37: {  	[spmem:s2] =	stream.indirect.scatter.add.f32 [tilespmem:s25], [sflag:$0x1], $0x10, s29, s26, $0xb8;
	[tilespmem:$0x5F80] =	vst v63  }
0x38: {  	_ =	swait.ge [sflag:s24], $0x800  }
0x39: {  	s29 =	simm.s32 $0x200;
	[sflag:s24] =	ssyncset.done $0x0  }
.LBB2_2:
0x3a: {  	s30 =	sshra.s32 s29, $0x2;
	[sflag:s24] =	ssyncadd.s32 $0xFFFFF800;
	p0 =	sne.s32 s29, $0x9C00  }
0x3b: {  	[spmem:s2] =	stream.indirect.scatter.add.f32 [tilespmem:s25], [sflag:$0x1], $0x10, s30, s26, $0xb8;
	[tilespmem:$0x5F80] =	vst v63  }
.Ltmp0:
0x3c: {  	_ = 	snop;
	(pc) =	sbr.rel @p0 .LBB2_2-.Ltmp0, $4  }
0x3d: {  	_ = 	snop  }
0x3e: {  	s29 =	sadd.s32 $0x200, s29  }
0x3f: {  	_ =	swait.ge [sflag:s24], $0x800  }
0x40: {  	[sflag:s24] =	ssyncset.done $0x0  }
0x41: {  	[sflag:s24] =	ssyncadd.s32 $0xFFFFF800  }
0x42: {  	[bflag:$0x0] =	sbarrier.arrive $0xFFFF  }
0x43: {  	[tilespmem:s23], [sflag:$0x1] =	stream.linear.gather [spmem:s8], $0x800, $0x38;
	[tilespmem:$0x5F80] =	vst v63  }
0x44: {  	_ =	swait.ge [sflag:s24], $0x800  }
0x45: {  	[sflag:s24] =	ssyncset.done $0x0  }
0x46: {  	[sflag:s24] =	ssyncadd.s32 $0xFFFFF800  }
0x47: {  	[hbm4b:s14+s3] =	stream.linear.scatter [tilespmem:s23], [sflag:$0x1], $0x800, $0x38;
	[tilespmem:$0x5F80] =	vst v63  }
0x48: {  	_ =	swait.ge [sflag:s24], $0x800  }
0x49: {  	[sflag:s24] =	ssyncset.done $0x0  }
0x4a: {  	[sflag:s24] =	ssyncadd.s32 $0xFFFFF800  }
0x4b: {  	[tilespmem:s23], [sflag:$0x1] =	stream.linear.gather [spmem:s15], $0x800, $0x38;
	[tilespmem:$0x5F80] =	vst v63  }
0x4c: {  	_ =	swait.ge [sflag:s24], $0x800  }
0x4d: {  	[sflag:s24] =	ssyncset.done $0x0  }
0x4e: {  	[sflag:s24] =	ssyncadd.s32 $0xFFFFF800  }
0x4f: {  	[hbm4b:s16+s3] =	stream.linear.scatter [tilespmem:s23], [sflag:$0x1], $0x800, $0x38;
	[tilespmem:$0x5F80] =	vst v63  }
0x50: {  	_ =	swait.ge [sflag:s24], $0x800  }
0x51: {  	[sflag:s24] =	ssyncset.done $0x0  }
0x52: {  	[sflag:s24] =	ssyncadd.s32 $0xFFFFF800  }
0x53: {  	[tilespmem:s23], [sflag:$0x1] =	stream.linear.gather [spmem:s17], $0x800, $0x38;
	[tilespmem:$0x5F80] =	vst v63  }
0x54: {  	_ =	swait.ge [sflag:s24], $0x800  }
0x55: {  	[sflag:s24] =	ssyncset.done $0x0  }
0x56: {  	[sflag:s24] =	ssyncadd.s32 $0xFFFFF800  }
0x57: {  	[hbm4b:s18+s3] =	stream.linear.scatter [tilespmem:s23], [sflag:$0x1], $0x800, $0x38;
	[tilespmem:$0x5F80] =	vst v63  }
0x58: {  	_ =	swait.ge [sflag:s24], $0x800  }
0x59: {  	[sflag:s24] =	ssyncset.done $0x0  }
0x5a: {  	[sflag:s24] =	ssyncadd.s32 $0xFFFFF800  }
0x5b: {  	[tilespmem:s23], [sflag:$0x1] =	stream.linear.gather [spmem:s19], $0x800, $0x38;
	[tilespmem:$0x5F80] =	vst v63  }
0x5c: {  	_ =	swait.ge [sflag:s24], $0x800  }
0x5d: {  	[sflag:s24] =	ssyncset.done $0x0  }
0x5e: {  	[sflag:s24] =	ssyncadd.s32 $0xFFFFF800  }
0x5f: {  	[hbm4b:s20+s3] =	stream.linear.scatter [tilespmem:s23], [sflag:$0x1], $0x800, $0x38;
	[tilespmem:$0x5F80] =	vst v63  }
0x60: {  	_ =	swait.ge [sflag:s24], $0x800  }
0x61: {  	[sflag:s24] =	ssyncset.done $0x0  }
0x62: {  	[sflag:s24] =	ssyncadd.s32 $0xFFFFF800  }
0x63: {  	[tilespmem:s23], [sflag:$0x1] =	stream.linear.gather [spmem:s21], $0x800, $0x38;
	[tilespmem:$0x5F80] =	vst v63  }
0x64: {  	s28 =	sadd.s32 $0x1, s28;
	_ =	swait.ge [sflag:s24], $0x800  }
0x65: {  	p0 =	sne.s32 s28, s9;
	[sflag:s24] =	ssyncset.done $0x0  }
.Ltmp1:
0x66: {  	[sflag:s24] =	ssyncadd.s32 $0xFFFFF800;
	(pc) =	sbr.rel @p0 .LBB2_1-.Ltmp1, $4  }
0x67: {  	[hbm4b:s22+s3] =	stream.linear.scatter [tilespmem:s23], [sflag:$0x1], $0x800, $0x38;
	[tilespmem:$0x5F80] =	vst v63  }
0x68: {  	_ =	swait.ge [sflag:s24], $0x800  }
0x69: {  	[sflag:s24] =	ssyncset.done $0x0  }
0x6a: {  	[sflag:s24] =	ssyncadd.s32 $0xFFFFF800  }
0x6b: {  	_ =	sfence.sel $0x180000  }
0x6c: {  	[bflag:$0x0] =	sbarrier.arrive $0xFFFF  }
0x6d: {  	p0 =	sne.s32 s0, $0x0;
	_ =	strace $0x90000047  }
0x6e: {  	s0 =	sadd.s32 @!p0 $0x100000, s1;
	[bflag:$0x2] =	sbarrier.arrive $0xFFFF  }
0x6f: {  	[sflag:s0] =	ssyncadd.tile.s32 @!p0 $0x1;
	_ =	shalt  }
.Lfunc_end2:
_tile_overlayer_lowered:
.L_overlay_start_2:
0x70: {  	(tag) =	ssettag $0x2  }
0x71: {  	s0 =	rddreg [dreg:$0x0];
	s2 =	stileid.u32  }
0x72: {  	s1 =	rddreg [dreg:$0x1];
	p0 =	sne.s32 s2, $0x0  }
0x73: {  	s3 =	rddreg [dreg:$0x2];
	[bflag:$0x3] =	sbarrier.arrive $0xFFFF;
	s2 =	simm.s32 @!p0 $0x1C01  }
0x74: {  	[timem:s3], [sflag:s2] =	dma.local @!p0 [hbm:s0], s1  }
0x75: {  	s0 =	simm.s32 @!p0 $0x1  }
0x76: {  	_ =	swait.ge @!p0 [sflag:s0], s1  }
0x77: {  	s1 =	ssub.s32 @!p0 $0x0, s1;
	[sflag:s0] =	ssyncset.done @!p0 $0x0  }
0x78: {  	[sflag:s0] =	ssyncadd.s32 @!p0 s1  }
0x79: {  	[bflag:$0x3] =	sbarrier.arrive $0xFFFF  }
0x7a: {  	_ =	shalt  }

</sc_bundles>
